<compile_context>
chip_gen: v7x
topology: tpu7x:2x2x1
jax: 0.10.2.dev20260603
libtpu: 0.0.44.dev20260713+nightly
codegen_flags: <defaults>
</compile_context>

<pallas_src>
import functools

import jax
import jax.numpy as jnp
from jax import lax
from jax.experimental import pallas as pl
from jax.experimental.pallas import tpu as pltpu
from jax.experimental.pallas import tpu_sc as plsc

B = 16384
D = 64
T = 1000

NC = 2
NS = 16
L = 16
NW = NC * NS
RW = B // NW
KI = RW // 128

_mesh = plsc.VectorSubcoreMesh(core_axis_name="c", subcore_axis_name="s")


@functools.partial(
    pl.kernel,
    out_type=[jax.ShapeDtypeStruct((B,), jnp.float32),
              jax.ShapeDtypeStruct((B,), jnp.float32)],
    mesh=_mesh,
    scratch_types=[
        pltpu.VMEM((RW,), jnp.int32),
        pltpu.VMEM((KI, 128), jnp.int32),
        pltpu.VMEM((RW,), jnp.float32),
        pltpu.VMEM((RW,), jnp.float32),
        pltpu.SemaphoreType.DMA,
        pltpu.SemaphoreType.DMA,
    ],
)
def _gather_sc(t_hbm, tab1_hbm, tab2_hbm, c1_hbm, c2_hbm,
               t_v, idx_v, c1_v, c2_v, sem_g, sem_out):
    wid = lax.axis_index("s") * NC + lax.axis_index("c")
    row0 = wid * RW

    pltpu.sync_copy(t_hbm.at[pl.ds(row0, RW)], t_v)

    for jc in range(RW // L):
        tv = t_v[pl.ds(jc * L, L)]
        lane = (jc % 8) * L + lax.iota(jnp.int32, L)
        band = wid * KI + jc // 8
        idx = ((tv >> 3) * (B * 8) + ((tv & 7) << 7)
               + (band * 1024 + lane))
        idx_v[jc // 8, pl.ds((jc % 8) * L, L)] = idx

    gathers = []
    for k in range(KI):
        gathers.append(
            pltpu.async_copy(tab1_hbm.at[idx_v.at[k]],
                             c1_v.at[pl.ds(k * 128, 128)], sem_g))
        gathers.append(
            pltpu.async_copy(tab2_hbm.at[idx_v.at[k]],
                             c2_v.at[pl.ds(k * 128, 128)], sem_g))
    for g in gathers:
        g.wait()

    outs = [pltpu.async_copy(c1_v, c1_hbm.at[pl.ds(row0, RW)], sem_out),
            pltpu.async_copy(c2_v, c2_hbm.at[pl.ds(row0, RW)], sem_out)]
    for cp in outs:
        cp.wait()


def _phys_flat(a, band):
    n, c = a.shape
    v = a.reshape(n // 128, 128, c // band, band)
    return v.transpose(2, 0, 3, 1).reshape(n * c)


BN = 8192


def _scale_add_tc(x_ref, n_ref, c1_ref, c2_ref, o_ref):
    o_ref[...] = c1_ref[...] * x_ref[...] + c2_ref[...] * n_ref[...]


_tc_call = pl.pallas_call(
    _scale_add_tc,
    grid=(B // BN,),
    in_specs=[pl.BlockSpec((D, BN), lambda i: (0, i)),
              pl.BlockSpec((D, BN), lambda i: (0, i)),
              pl.BlockSpec((1, BN), lambda i: (0, i)),
              pl.BlockSpec((1, BN), lambda i: (0, i))],
    out_specs=pl.BlockSpec((D, BN), lambda i: (0, i)),
    out_shape=jax.ShapeDtypeStruct((D, B), jnp.float32),
)


def kernel(x_start, t, noise, sqrt_alphas_cumprod, sqrt_one_minus_alphas_cumprod):
    c1, c2 = _gather_sc(
        t.astype(jnp.int32),
        _phys_flat(sqrt_alphas_cumprod, 8),
        _phys_flat(sqrt_one_minus_alphas_cumprod, 8),
    )
    out_t = _tc_call(x_start.T, noise.T, c1.reshape(1, B), c2.reshape(1, B))
    return out_t.T

# --- scband reference (transcript-rebuilt; emitter-appended) ---
"""Pipeline reference for scband-gaussian-diffusion-11879879541104 (READ-ONLY COPY).

The authoritative reference and input builder live on the scoring server;
editing this copy changes nothing except your own understanding.
"""

import jax, jax.numpy as jnp
import numpy as np

B = 16384
D = 64
T = 1000


def setup_inputs(seed: int = 0) -> dict:
    key = jax.random.key(seed)
    k1, k2, k3, k4, k5 = jax.random.split(key, 5)
    x_start = jax.random.normal(k1, (B, D), dtype=jnp.float32)
    noise = jax.random.normal(k2, (B, D), dtype=jnp.float32)
    t = jax.random.randint(k3, (B,), 0, T)
    # Faithful per-row noise schedules, as computed by noise_calculation(max, min)
    mn = jax.random.uniform(k4, (B,), minval=0.05, maxval=0.2)
    mx = jax.random.uniform(k5, (B,), minval=1.0, maxval=10.0)
    beta_min = jnp.power(mn, 2) / (9.0 + jnp.power(mn, 2))
    beta_max = jnp.power(mx, 2) / (1.0 + jnp.power(mx, 2))
    frac = jnp.arange(T, dtype=jnp.float32) / float(T - 1)
    betas = beta_min[:, None] + (beta_max - beta_min)[:, None] * frac[None, :]  # linspace per row
    alphas = 1.0 - betas
    alphas_cumprod = jnp.cumprod(alphas, axis=1)
    sqrt_alphas_cumprod = jnp.sqrt(alphas_cumprod)
    sqrt_one_minus_alphas_cumprod = jnp.sqrt(1.0 - alphas_cumprod)
    return {
        "x_start": x_start,
        "t": t,
        "noise": noise,
        "sqrt_alphas_cumprod": sqrt_alphas_cumprod,
        "sqrt_one_minus_alphas_cumprod": sqrt_one_minus_alphas_cumprod,
    }


def _extract_into_tensor(arr, timesteps, broadcast_shape):
    # arr: [B, T]; gather arr[i, t_i] then broadcast over feature dims
    rows = jnp.arange(timesteps.shape[0])
    res = arr[rows, timesteps].astype(jnp.float32)
    while res.ndim < len(broadcast_shape):
        res = res[..., None]
    return jnp.broadcast_to(res, broadcast_shape)


def reference(x_start, t, noise, sqrt_alphas_cumprod, sqrt_one_minus_alphas_cumprod):
    # GaussianDiffusion.add_noise(x_start, t, noise)
    c1 = _extract_into_tensor(sqrt_alphas_cumprod, t, x_start.shape)
    c2 = _extract_into_tensor(sqrt_one_minus_alphas_cumprod, t, x_start.shape)
    return c1 * x_start + c2 * noise

if __name__ == "__main__":
    import jax
    _d = setup_inputs()
    print(jax.jit(kernel)(*tuple(_d.values())))

</pallas_src>

<mosaic_0001>
#map = affine_map<(d0, d1) -> (0)>
module attributes {stable_mosaic.version = 14 : i64} {
  func.func @_gather_sc(%arg0: i32, %arg1: i32, %arg2: memref<16384xi32, #tpu.memory_space<hbm>>, %arg3: memref<16384000xf32, #tpu.memory_space<hbm>>, %arg4: memref<16384000xf32, #tpu.memory_space<hbm>>, %arg5: memref<16384xf32, #tpu.memory_space<hbm>>, %arg6: memref<16384xf32, #tpu.memory_space<hbm>>, %arg7: memref<512xi32, #tpu.memory_space<vmem>>, %arg8: memref<4x128xi32, #tpu.memory_space<vmem>>, %arg9: memref<512xf32, #tpu.memory_space<vmem>>, %arg10: memref<512xf32, #tpu.memory_space<vmem>>, %arg11: memref<!tpu.dma_semaphore, #tpu.memory_space<semaphore_mem>>, %arg12: memref<!tpu.dma_semaphore, #tpu.memory_space<semaphore_mem>>) attributes {dimension_semantics = [#tpu.dimension_semantics<core_parallel>, #tpu.dimension_semantics<subcore_parallel>], iteration_bounds = array<i64: 2, 16>, scalar_prefetch = 0 : i64, scratch_operands = 6 : i64, tpu.core_type = #tpu.core_type<sc_vector_subcore>, window_params = [{transform_indices = #map}, {transform_indices = #map}, {transform_indices = #map}, {transform_indices = #map}, {transform_indices = #map}]} {
    %mul3A = arith.constant 2 : i32
    %mul3A_0 = arith.muli %arg1, %mul3A : i32
    %add3A = arith.addi %mul3A_0, %arg0 : i32
    %mul3A_1 = arith.constant 512 : i32
    %mul3A_2 = arith.muli %add3A, %mul3A_1 : i32
    "tpu.region"() ({
      %run_scoped3A = tpu.sem_alloc : memref<!tpu.dma_semaphore, #tpu.memory_space<semaphore_mem>>
      %dma_start3A_1251 = tpu.memref_slice %arg2[%mul3A_2] : memref<16384xi32, #tpu.memory_space<hbm>> -> memref<512xi32, #tpu.memory_space<hbm>>
      %dma_start3A_1252 = tpu.memref_slice %arg2[%mul3A_2] : memref<16384xi32, #tpu.memory_space<hbm>> -> memref<512xi32, #tpu.memory_space<hbm>>
      tpu.enqueue_dma source(%dma_start3A_1252 : memref<512xi32, #tpu.memory_space<hbm>>) target(%arg7 : memref<512xi32, #tpu.memory_space<vmem>>) target_semaphore(%run_scoped3A : memref<!tpu.dma_semaphore, #tpu.memory_space<semaphore_mem>>)
      %dma_wait3A_1253 = tpu.memref_slice %arg2[%mul3A_2] : memref<16384xi32, #tpu.memory_space<hbm>> -> memref<512xi32, #tpu.memory_space<hbm>>
      %dma_wait3A_1254 = tpu.memref_slice %arg2[%mul3A_2] : memref<16384xi32, #tpu.memory_space<hbm>> -> memref<512xi32, #tpu.memory_space<hbm>>
      tpu.wait_dma2 semaphore(%run_scoped3A : memref<!tpu.dma_semaphore, #tpu.memory_space<semaphore_mem>>) src(%dma_wait3A_1254 : memref<512xi32, #tpu.memory_space<hbm>>) dst(%arg7 : memref<512xi32, #tpu.memory_space<vmem>>)
      tpu.yield
    }) : () -> ()
    %get3A = arith.constant 0 : index
    %get3A_3 = tpu.vector_load %arg7[%get3A] {strides = array<i32>} : memref<512xi32, #tpu.memory_space<vmem>>, vector<16xi32>,
    %get3A_4 = vector.shape_cast %get3A_3 : vector<16xi32> to vector<16xi32>
    %iota3A = tpu.iota {dimensions = array<i32: 0>} : vector<16xi32>
    %add3A_5 = arith.constant 0 : i32
    %add3A_6 = vector.broadcast %add3A_5 : i32 to vector<16xi32>
    %add3A_7 = arith.addi %add3A_6, %iota3A : vector<16xi32>
    %mul3A_8 = arith.constant 4 : i32
    %mul3A_9 = arith.muli %add3A, %mul3A_8 : i32
    %add3A_10 = arith.constant 0 : i32
    %add3A_11 = arith.addi %mul3A_9, %add3A_10 : i32
    %shift_right_arithmetic3A = arith.constant 3 : i32
    %shift_right_arithmetic3A_12 = vector.broadcast %shift_right_arithmetic3A : i32 to vector<16xi32>
    %shift_right_arithmetic3A_13 = arith.shrsi %get3A_4, %shift_right_arithmetic3A_12 : vector<16xi32>
    %mul3A_14 = arith.constant 131072 : i32
    %mul3A_15 = vector.broadcast %mul3A_14 : i32 to vector<16xi32>
    %mul3A_16 = arith.muli %shift_right_arithmetic3A_13, %mul3A_15 : vector<16xi32>
    %and3A = arith.constant 7 : i32
    %and3A_17 = vector.broadcast %and3A : i32 to vector<16xi32>
    %and3A_18 = arith.andi %get3A_4, %and3A_17 : vector<16xi32>
    %shift_left3A = arith.constant 7 : i32
    %shift_left3A_19 = vector.broadcast %shift_left3A : i32 to vector<16xi32>
    %shift_left3A_20 = arith.shli %and3A_18, %shift_left3A_19 : vector<16xi32>
    %add3A_21 = arith.addi %mul3A_16, %shift_left3A_20 : vector<16xi32>
    %mul3A_22 = arith.constant 1024 : i32
    %mul3A_23 = arith.muli %add3A_11, %mul3A_22 : i32
    %add3A_24 = vector.broadcast %mul3A_23 : i32 to vector<16xi32>
    %add3A_25 = arith.addi %add3A_24, %add3A_7 : vector<16xi32>
    %add3A_26 = arith.addi %add3A_21, %add3A_25 : vector<16xi32>
    %swap3A = arith.constant 0 : i32
    %swap3A_27 = arith.index_cast %swap3A : i32 to index
    %swap3A_28 = arith.constant 0 : index
    %swap3A_29 = tpu.vector_load %arg8[%swap3A_27, %swap3A_28] {strides = array<i32>} : memref<4x128xi32, #tpu.memory_space<vmem>>, vector<1x16xi32>,
    %swap3A_30 = vector.shape_cast %swap3A_29 : vector<1x16xi32> to vector<16xi32>
    %swap3A_31 = vector.shape_cast %add3A_26 : vector<16xi32> to vector<1x16xi32>
    tpu.vector_store %arg8[%swap3A_27, %swap3A_28], %swap3A_31 {strides = array<i32>} : memref<4x128xi32, #tpu.memory_space<vmem>>, vector<1x16xi32>,
    %get3A_32 = arith.constant 16 : index
    %get3A_33 = tpu.vector_load %arg7[%get3A_32] {strides = array<i32>} : memref<512xi32, #tpu.memory_space<vmem>>, vector<16xi32>,
    %get3A_34 = vector.shape_cast %get3A_33 : vector<16xi32> to vector<16xi32>
    %iota3A_35 = tpu.iota {dimensions = array<i32: 0>} : vector<16xi32>
    %add3A_36 = arith.constant 16 : i32
    %add3A_37 = vector.broadcast %add3A_36 : i32 to vector<16xi32>
    %add3A_38 = arith.addi %add3A_37, %iota3A_35 : vector<16xi32>
    %mul3A_39 = arith.constant 4 : i32
    %mul3A_40 = arith.muli %add3A, %mul3A_39 : i32
    %add3A_41 = arith.constant 0 : i32
    %add3A_42 = arith.addi %mul3A_40, %add3A_41 : i32
    %shift_right_arithmetic3A_43 = arith.constant 3 : i32
    %shift_right_arithmetic3A_44 = vector.broadcast %shift_right_arithmetic3A_43 : i32 to vector<16xi32>
    %shift_right_arithmetic3A_45 = arith.shrsi %get3A_34, %shift_right_arithmetic3A_44 : vector<16xi32>
    %mul3A_46 = arith.constant 131072 : i32
    %mul3A_47 = vector.broadcast %mul3A_46 : i32 to vector<16xi32>
    %mul3A_48 = arith.muli %shift_right_arithmetic3A_45, %mul3A_47 : vector<16xi32>
    %and3A_49 = arith.constant 7 : i32
    %and3A_50 = vector.broadcast %and3A_49 : i32 to vector<16xi32>
    %and3A_51 = arith.andi %get3A_34, %and3A_50 : vector<16xi32>
    %shift_left3A_52 = arith.constant 7 : i32
    %shift_left3A_53 = vector.broadcast %shift_left3A_52 : i32 to vector<16xi32>
    %shift_left3A_54 = arith.shli %and3A_51, %shift_left3A_53 : vector<16xi32>
    %add3A_55 = arith.addi %mul3A_48, %shift_left3A_54 : vector<16xi32>
    %mul3A_56 = arith.constant 1024 : i32
    %mul3A_57 = arith.muli %add3A_42, %mul3A_56 : i32
    %add3A_58 = vector.broadcast %mul3A_57 : i32 to vector<16xi32>
    %add3A_59 = arith.addi %add3A_58, %add3A_38 : vector<16xi32>
    %add3A_60 = arith.addi %add3A_55, %add3A_59 : vector<16xi32>
    %swap3A_61 = arith.constant 0 : i32
    %swap3A_62 = arith.index_cast %swap3A_61 : i32 to index
    %swap3A_63 = arith.constant 16 : index
    %swap3A_64 = tpu.vector_load %arg8[%swap3A_62, %swap3A_63] {strides = array<i32>} : memref<4x128xi32, #tpu.memory_space<vmem>>, vector<1x16xi32>,
    %swap3A_65 = vector.shape_cast %swap3A_64 : vector<1x16xi32> to vector<16xi32>
    %swap3A_66 = vector.shape_cast %add3A_60 : vector<16xi32> to vector<1x16xi32>
    tpu.vector_store %arg8[%swap3A_62, %swap3A_63], %swap3A_66 {strides = array<i32>} : memref<4x128xi32, #tpu.memory_space<vmem>>, vector<1x16xi32>,
    %get3A_67 = arith.constant 32 : index
    %get3A_68 = tpu.vector_load %arg7[%get3A_67] {strides = array<i32>} : memref<512xi32, #tpu.memory_space<vmem>>, vector<16xi32>,
    %get3A_69 = vector.shape_cast %get3A_68 : vector<16xi32> to vector<16xi32>
    %iota3A_70 = tpu.iota {dimensions = array<i32: 0>} : vector<16xi32>
    %add3A_71 = arith.constant 32 : i32
    %add3A_72 = vector.broadcast %add3A_71 : i32 to vector<16xi32>
    %add3A_73 = arith.addi %add3A_72, %iota3A_70 : vector<16xi32>
    %mul3A_74 = arith.constant 4 : i32
    %mul3A_75 = arith.muli %add3A, %mul3A_74 : i32
    %add3A_76 = arith.constant 0 : i32
    %add3A_77 = arith.addi %mul3A_75, %add3A_76 : i32
    %shift_right_arithmetic3A_78 = arith.constant 3 : i32
    %shift_right_arithmetic3A_79 = vector.broadcast %shift_right_arithmetic3A_78 : i32 to vector<16xi32>
    %shift_right_arithmetic3A_80 = arith.shrsi %get3A_69, %shift_right_arithmetic3A_79 : vector<16xi32>
    %mul3A_81 = arith.constant 131072 : i32
    %mul3A_82 = vector.broadcast %mul3A_81 : i32 to vector<16xi32>
    %mul3A_83 = arith.muli %shift_right_arithmetic3A_80, %mul3A_82 : vector<16xi32>
    %and3A_84 = arith.constant 7 : i32
    %and3A_85 = vector.broadcast %and3A_84 : i32 to vector<16xi32>
    %and3A_86 = arith.andi %get3A_69, %and3A_85 : vector<16xi32>
    %shift_left3A_87 = arith.constant 7 : i32
    %shift_left3A_88 = vector.broadcast %shift_left3A_87 : i32 to vector<16xi32>
    %shift_left3A_89 = arith.shli %and3A_86, %shift_left3A_88 : vector<16xi32>
    %add3A_90 = arith.addi %mul3A_83, %shift_left3A_89 : vector<16xi32>
    %mul3A_91 = arith.constant 1024 : i32
    %mul3A_92 = arith.muli %add3A_77, %mul3A_91 : i32
    %add3A_93 = vector.broadcast %mul3A_92 : i32 to vector<16xi32>
    %add3A_94 = arith.addi %add3A_93, %add3A_73 : vector<16xi32>
    %add3A_95 = arith.addi %add3A_90, %add3A_94 : vector<16xi32>
    %swap3A_96 = arith.constant 0 : i32
    %swap3A_97 = arith.index_cast %swap3A_96 : i32 to index
    %swap3A_98 = arith.constant 32 : index
    %swap3A_99 = tpu.vector_load %arg8[%swap3A_97, %swap3A_98] {strides = array<i32>} : memref<4x128xi32, #tpu.memory_space<vmem>>, vector<1x16xi32>,
    %swap3A_100 = vector.shape_cast %swap3A_99 : vector<1x16xi32> to vector<16xi32>
    %swap3A_101 = vector.shape_cast %add3A_95 : vector<16xi32> to vector<1x16xi32>
    tpu.vector_store %arg8[%swap3A_97, %swap3A_98], %swap3A_101 {strides = array<i32>} : memref<4x128xi32, #tpu.memory_space<vmem>>, vector<1x16xi32>,
    %get3A_102 = arith.constant 48 : index
    %get3A_103 = tpu.vector_load %arg7[%get3A_102] {strides = array<i32>} : memref<512xi32, #tpu.memory_space<vmem>>, vector<16xi32>,
    %get3A_104 = vector.shape_cast %get3A_103 : vector<16xi32> to vector<16xi32>
    %iota3A_105 = tpu.iota {dimensions = array<i32: 0>} : vector<16xi32>
    %add3A_106 = arith.constant 48 : i32
    %add3A_107 = vector.broadcast %add3A_106 : i32 to vector<16xi32>
    %add3A_108 = arith.addi %add3A_107, %iota3A_105 : vector<16xi32>
    %mul3A_109 = arith.constant 4 : i32
    %mul3A_110 = arith.muli %add3A, %mul3A_109 : i32
    %add3A_111 = arith.constant 0 : i32
    %add3A_112 = arith.addi %mul3A_110, %add3A_111 : i32
    %shift_right_arithmetic3A_113 = arith.constant 3 : i32
    %shift_right_arithmetic3A_114 = vector.broadcast %shift_right_arithmetic3A_113 : i32 to vector<16xi32>
    %shift_right_arithmetic3A_115 = arith.shrsi %get3A_104, %shift_right_arithmetic3A_114 : vector<16xi32>
    %mul3A_116 = arith.constant 131072 : i32
    %mul3A_117 = vector.broadcast %mul3A_116 : i32 to vector<16xi32>
    %mul3A_118 = arith.muli %shift_right_arithmetic3A_115, %mul3A_117 : vector<16xi32>
    %and3A_119 = arith.constant 7 : i32
    %and3A_120 = vector.broadcast %and3A_119 : i32 to vector<16xi32>
    %and3A_121 = arith.andi %get3A_104, %and3A_120 : vector<16xi32>
    %shift_left3A_122 = arith.constant 7 : i32
    %shift_left3A_123 = vector.broadcast %shift_left3A_122 : i32 to vector<16xi32>
    %shift_left3A_124 = arith.shli %and3A_121, %shift_left3A_123 : vector<16xi32>
    %add3A_125 = arith.addi %mul3A_118, %shift_left3A_124 : vector<16xi32>
    %mul3A_126 = arith.constant 1024 : i32
    %mul3A_127 = arith.muli %add3A_112, %mul3A_126 : i32
    %add3A_128 = vector.broadcast %mul3A_127 : i32 to vector<16xi32>
    %add3A_129 = arith.addi %add3A_128, %add3A_108 : vector<16xi32>
    %add3A_130 = arith.addi %add3A_125, %add3A_129 : vector<16xi32>
    %swap3A_131 = arith.constant 0 : i32
    %swap3A_132 = arith.index_cast %swap3A_131 : i32 to index
    %swap3A_133 = arith.constant 48 : index
    %swap3A_134 = tpu.vector_load %arg8[%swap3A_132, %swap3A_133] {strides = array<i32>} : memref<4x128xi32, #tpu.memory_space<vmem>>, vector<1x16xi32>,
    %swap3A_135 = vector.shape_cast %swap3A_134 : vector<1x16xi32> to vector<16xi32>
    %swap3A_136 = vector.shape_cast %add3A_130 : vector<16xi32> to vector<1x16xi32>
    tpu.vector_store %arg8[%swap3A_132, %swap3A_133], %swap3A_136 {strides = array<i32>} : memref<4x128xi32, #tpu.memory_space<vmem>>, vector<1x16xi32>,
    %get3A_137 = arith.constant 64 : index
    %get3A_138 = tpu.vector_load %arg7[%get3A_137] {strides = array<i32>} : memref<512xi32, #tpu.memory_space<vmem>>, vector<16xi32>,
    %get3A_139 = vector.shape_cast %get3A_138 : vector<16xi32> to vector<16xi32>
    %iota3A_140 = tpu.iota {dimensions = array<i32: 0>} : vector<16xi32>
    %add3A_141 = arith.constant 64 : i32
    %add3A_142 = vector.broadcast %add3A_141 : i32 to vector<16xi32>
    %add3A_143 = arith.addi %add3A_142, %iota3A_140 : vector<16xi32>
    %mul3A_144 = arith.constant 4 : i32
    %mul3A_145 = arith.muli %add3A, %mul3A_144 : i32
    %add3A_146 = arith.constant 0 : i32
    %add3A_147 = arith.addi %mul3A_145, %add3A_146 : i32
    %shift_right_arithmetic3A_148 = arith.constant 3 : i32
    %shift_right_arithmetic3A_149 = vector.broadcast %shift_right_arithmetic3A_148 : i32 to vector<16xi32>
    %shift_right_arithmetic3A_150 = arith.shrsi %get3A_139, %shift_right_arithmetic3A_149 : vector<16xi32>
    %mul3A_151 = arith.constant 131072 : i32
    %mul3A_152 = vector.broadcast %mul3A_151 : i32 to vector<16xi32>
    %mul3A_153 = arith.muli %shift_right_arithmetic3A_150, %mul3A_152 : vector<16xi32>
    %and3A_154 = arith.constant 7 : i32
    %and3A_155 = vector.broadcast %and3A_154 : i32 to vector<16xi32>
    %and3A_156 = arith.andi %get3A_139, %and3A_155 : vector<16xi32>
    %shift_left3A_157 = arith.constant 7 : i32
    %shift_left3A_158 = vector.broadcast %shift_left3A_157 : i32 to vector<16xi32>
    %shift_left3A_159 = arith.shli %and3A_156, %shift_left3A_158 : vector<16xi32>
    %add3A_160 = arith.addi %mul3A_153, %shift_left3A_159 : vector<16xi32>
    %mul3A_161 = arith.constant 1024 : i32
    %mul3A_162 = arith.muli %add3A_147, %mul3A_161 : i32
    %add3A_163 = vector.broadcast %mul3A_162 : i32 to vector<16xi32>
    %add3A_164 = arith.addi %add3A_163, %add3A_143 : vector<16xi32>
    %add3A_165 = arith.addi %add3A_160, %add3A_164 : vector<16xi32>
    %swap3A_166 = arith.constant 0 : i32
    %swap3A_167 = arith.index_cast %swap3A_166 : i32 to index
    %swap3A_168 = arith.constant 64 : index
    %swap3A_169 = tpu.vector_load %arg8[%swap3A_167, %swap3A_168] {strides = array<i32>} : memref<4x128xi32, #tpu.memory_space<vmem>>, vector<1x16xi32>,
    %swap3A_170 = vector.shape_cast %swap3A_169 : vector<1x16xi32> to vector<16xi32>
    %swap3A_171 = vector.shape_cast %add3A_165 : vector<16xi32> to vector<1x16xi32>
    tpu.vector_store %arg8[%swap3A_167, %swap3A_168], %swap3A_171 {strides = array<i32>} : memref<4x128xi32, #tpu.memory_space<vmem>>, vector<1x16xi32>,
    %get3A_172 = arith.constant 80 : index
    %get3A_173 = tpu.vector_load %arg7[%get3A_172] {strides = array<i32>} : memref<512xi32, #tpu.memory_space<vmem>>, vector<16xi32>,
    %get3A_174 = vector.shape_cast %get3A_173 : vector<16xi32> to vector<16xi32>
    %iota3A_175 = tpu.iota {dimensions = array<i32: 0>} : vector<16xi32>
    %add3A_176 = arith.constant 80 : i32
    %add3A_177 = vector.broadcast %add3A_176 : i32 to vector<16xi32>
    %add3A_178 = arith.addi %add3A_177, %iota3A_175 : vector<16xi32>
    %mul3A_179 = arith.constant 4 : i32
    %mul3A_180 = arith.muli %add3A, %mul3A_179 : i32
    %add3A_181 = arith.constant 0 : i32
    %add3A_182 = arith.addi %mul3A_180, %add3A_181 : i32
    %shift_right_arithmetic3A_183 = arith.constant 3 : i32
    %shift_right_arithmetic3A_184 = vector.broadcast %shift_right_arithmetic3A_183 : i32 to vector<16xi32>
    %shift_right_arithmetic3A_185 = arith.shrsi %get3A_174, %shift_right_arithmetic3A_184 : vector<16xi32>
    %mul3A_186 = arith.constant 131072 : i32
    %mul3A_187 = vector.broadcast %mul3A_186 : i32 to vector<16xi32>
    %mul3A_188 = arith.muli %shift_right_arithmetic3A_185, %mul3A_187 : vector<16xi32>
    %and3A_189 = arith.constant 7 : i32
    %and3A_190 = vector.broadcast %and3A_189 : i32 to vector<16xi32>
    %and3A_191 = arith.andi %get3A_174, %and3A_190 : vector<16xi32>
    %shift_left3A_192 = arith.constant 7 : i32
    %shift_left3A_193 = vector.broadcast %shift_left3A_192 : i32 to vector<16xi32>
    %shift_left3A_194 = arith.shli %and3A_191, %shift_left3A_193 : vector<16xi32>
    %add3A_195 = arith.addi %mul3A_188, %shift_left3A_194 : vector<16xi32>
    %mul3A_196 = arith.constant 1024 : i32
    %mul3A_197 = arith.muli %add3A_182, %mul3A_196 : i32
    %add3A_198 = vector.broadcast %mul3A_197 : i32 to vector<16xi32>
    %add3A_199 = arith.addi %add3A_198, %add3A_178 : vector<16xi32>
    %add3A_200 = arith.addi %add3A_195, %add3A_199 : vector<16xi32>
    %swap3A_201 = arith.constant 0 : i32
    %swap3A_202 = arith.index_cast %swap3A_201 : i32 to index
    %swap3A_203 = arith.constant 80 : index
    %swap3A_204 = tpu.vector_load %arg8[%swap3A_202, %swap3A_203] {strides = array<i32>} : memref<4x128xi32, #tpu.memory_space<vmem>>, vector<1x16xi32>,
    %swap3A_205 = vector.shape_cast %swap3A_204 : vector<1x16xi32> to vector<16xi32>
    %swap3A_206 = vector.shape_cast %add3A_200 : vector<16xi32> to vector<1x16xi32>
    tpu.vector_store %arg8[%swap3A_202, %swap3A_203], %swap3A_206 {strides = array<i32>} : memref<4x128xi32, #tpu.memory_space<vmem>>, vector<1x16xi32>,
    %get3A_207 = arith.constant 96 : index
    %get3A_208 = tpu.vector_load %arg7[%get3A_207] {strides = array<i32>} : memref<512xi32, #tpu.memory_space<vmem>>, vector<16xi32>,
    %get3A_209 = vector.shape_cast %get3A_208 : vector<16xi32> to vector<16xi32>
    %iota3A_210 = tpu.iota {dimensions = array<i32: 0>} : vector<16xi32>
    %add3A_211 = arith.constant 96 : i32
    %add3A_212 = vector.broadcast %add3A_211 : i32 to vector<16xi32>
    %add3A_213 = arith.addi %add3A_212, %iota3A_210 : vector<16xi32>
    %mul3A_214 = arith.constant 4 : i32
    %mul3A_215 = arith.muli %add3A, %mul3A_214 : i32
    %add3A_216 = arith.constant 0 : i32
    %add3A_217 = arith.addi %mul3A_215, %add3A_216 : i32
    %shift_right_arithmetic3A_218 = arith.constant 3 : i32
    %shift_right_arithmetic3A_219 = vector.broadcast %shift_right_arithmetic3A_218 : i32 to vector<16xi32>
    %shift_right_arithmetic3A_220 = arith.shrsi %get3A_209, %shift_right_arithmetic3A_219 : vector<16xi32>
    %mul3A_221 = arith.constant 131072 : i32
    %mul3A_222 = vector.broadcast %mul3A_221 : i32 to vector<16xi32>
    %mul3A_223 = arith.muli %shift_right_arithmetic3A_220, %mul3A_222 : vector<16xi32>
    %and3A_224 = arith.constant 7 : i32
    %and3A_225 = vector.broadcast %and3A_224 : i32 to vector<16xi32>
    %and3A_226 = arith.andi %get3A_209, %and3A_225 : vector<16xi32>
    %shift_left3A_227 = arith.constant 7 : i32
    %shift_left3A_228 = vector.broadcast %shift_left3A_227 : i32 to vector<16xi32>
    %shift_left3A_229 = arith.shli %and3A_226, %shift_left3A_228 : vector<16xi32>
    %add3A_230 = arith.addi %mul3A_223, %shift_left3A_229 : vector<16xi32>
    %mul3A_231 = arith.constant 1024 : i32
    %mul3A_232 = arith.muli %add3A_217, %mul3A_231 : i32
    %add3A_233 = vector.broadcast %mul3A_232 : i32 to vector<16xi32>
    %add3A_234 = arith.addi %add3A_233, %add3A_213 : vector<16xi32>
    %add3A_235 = arith.addi %add3A_230, %add3A_234 : vector<16xi32>
    %swap3A_236 = arith.constant 0 : i32
    %swap3A_237 = arith.index_cast %swap3A_236 : i32 to index
    %swap3A_238 = arith.constant 96 : index
    %swap3A_239 = tpu.vector_load %arg8[%swap3A_237, %swap3A_238] {strides = array<i32>} : memref<4x128xi32, #tpu.memory_space<vmem>>, vector<1x16xi32>,
    %swap3A_240 = vector.shape_cast %swap3A_239 : vector<1x16xi32> to vector<16xi32>
    %swap3A_241 = vector.shape_cast %add3A_235 : vector<16xi32> to vector<1x16xi32>
    tpu.vector_store %arg8[%swap3A_237, %swap3A_238], %swap3A_241 {strides = array<i32>} : memref<4x128xi32, #tpu.memory_space<vmem>>, vector<1x16xi32>,
    %get3A_242 = arith.constant 112 : index
    %get3A_243 = tpu.vector_load %arg7[%get3A_242] {strides = array<i32>} : memref<512xi32, #tpu.memory_space<vmem>>, vector<16xi32>,
    %get3A_244 = vector.shape_cast %get3A_243 : vector<16xi32> to vector<16xi32>
    %iota3A_245 = tpu.iota {dimensions = array<i32: 0>} : vector<16xi32>
    %add3A_246 = arith.constant 112 : i32
    %add3A_247 = vector.broadcast %add3A_246 : i32 to vector<16xi32>
    %add3A_248 = arith.addi %add3A_247, %iota3A_245 : vector<16xi32>
    %mul3A_249 = arith.constant 4 : i32
    %mul3A_250 = arith.muli %add3A, %mul3A_249 : i32
    %add3A_251 = arith.constant 0 : i32
    %add3A_252 = arith.addi %mul3A_250, %add3A_251 : i32
    %shift_right_arithmetic3A_253 = arith.constant 3 : i32
    %shift_right_arithmetic3A_254 = vector.broadcast %shift_right_arithmetic3A_253 : i32 to vector<16xi32>
    %shift_right_arithmetic3A_255 = arith.shrsi %get3A_244, %shift_right_arithmetic3A_254 : vector<16xi32>
    %mul3A_256 = arith.constant 131072 : i32
    %mul3A_257 = vector.broadcast %mul3A_256 : i32 to vector<16xi32>
    %mul3A_258 = arith.muli %shift_right_arithmetic3A_255, %mul3A_257 : vector<16xi32>
    %and3A_259 = arith.constant 7 : i32
    %and3A_260 = vector.broadcast %and3A_259 : i32 to vector<16xi32>
    %and3A_261 = arith.andi %get3A_244, %and3A_260 : vector<16xi32>
    %shift_left3A_262 = arith.constant 7 : i32
    %shift_left3A_263 = vector.broadcast %shift_left3A_262 : i32 to vector<16xi32>
    %shift_left3A_264 = arith.shli %and3A_261, %shift_left3A_263 : vector<16xi32>
    %add3A_265 = arith.addi %mul3A_258, %shift_left3A_264 : vector<16xi32>
    %mul3A_266 = arith.constant 1024 : i32
    %mul3A_267 = arith.muli %add3A_252, %mul3A_266 : i32
    %add3A_268 = vector.broadcast %mul3A_267 : i32 to vector<16xi32>
    %add3A_269 = arith.addi %add3A_268, %add3A_248 : vector<16xi32>
    %add3A_270 = arith.addi %add3A_265, %add3A_269 : vector<16xi32>
    %swap3A_271 = arith.constant 0 : i32
    %swap3A_272 = arith.index_cast %swap3A_271 : i32 to index
    %swap3A_273 = arith.constant 112 : index
    %swap3A_274 = tpu.vector_load %arg8[%swap3A_272, %swap3A_273] {strides = array<i32>} : memref<4x128xi32, #tpu.memory_space<vmem>>, vector<1x16xi32>,
    %swap3A_275 = vector.shape_cast %swap3A_274 : vector<1x16xi32> to vector<16xi32>
    %swap3A_276 = vector.shape_cast %add3A_270 : vector<16xi32> to vector<1x16xi32>
    tpu.vector_store %arg8[%swap3A_272, %swap3A_273], %swap3A_276 {strides = array<i32>} : memref<4x128xi32, #tpu.memory_space<vmem>>, vector<1x16xi32>,
    %get3A_277 = arith.constant 128 : index
    %get3A_278 = tpu.vector_load %arg7[%get3A_277] {strides = array<i32>} : memref<512xi32, #tpu.memory_space<vmem>>, vector<16xi32>,
    %get3A_279 = vector.shape_cast %get3A_278 : vector<16xi32> to vector<16xi32>
    %iota3A_280 = tpu.iota {dimensions = array<i32: 0>} : vector<16xi32>
    %add3A_281 = arith.constant 0 : i32
    %add3A_282 = vector.broadcast %add3A_281 : i32 to vector<16xi32>
    %add3A_283 = arith.addi %add3A_282, %iota3A_280 : vector<16xi32>
    %mul3A_284 = arith.constant 4 : i32
    %mul3A_285 = arith.muli %add3A, %mul3A_284 : i32
    %add3A_286 = arith.constant 1 : i32
    %add3A_287 = arith.addi %mul3A_285, %add3A_286 : i32
    %shift_right_arithmetic3A_288 = arith.constant 3 : i32
    %shift_right_arithmetic3A_289 = vector.broadcast %shift_right_arithmetic3A_288 : i32 to vector<16xi32>
    %shift_right_arithmetic3A_290 = arith.shrsi %get3A_279, %shift_right_arithmetic3A_289 : vector<16xi32>
    %mul3A_291 = arith.constant 131072 : i32
    %mul3A_292 = vector.broadcast %mul3A_291 : i32 to vector<16xi32>
    %mul3A_293 = arith.muli %shift_right_arithmetic3A_290, %mul3A_292 : vector<16xi32>
    %and3A_294 = arith.constant 7 : i32
    %and3A_295 = vector.broadcast %and3A_294 : i32 to vector<16xi32>
    %and3A_296 = arith.andi %get3A_279, %and3A_295 : vector<16xi32>
    %shift_left3A_297 = arith.constant 7 : i32
    %shift_left3A_298 = vector.broadcast %shift_left3A_297 : i32 to vector<16xi32>
    %shift_left3A_299 = arith.shli %and3A_296, %shift_left3A_298 : vector<16xi32>
    %add3A_300 = arith.addi %mul3A_293, %shift_left3A_299 : vector<16xi32>
    %mul3A_301 = arith.constant 1024 : i32
    %mul3A_302 = arith.muli %add3A_287, %mul3A_301 : i32
    %add3A_303 = vector.broadcast %mul3A_302 : i32 to vector<16xi32>
    %add3A_304 = arith.addi %add3A_303, %add3A_283 : vector<16xi32>
    %add3A_305 = arith.addi %add3A_300, %add3A_304 : vector<16xi32>
    %swap3A_306 = arith.constant 1 : i32
    %swap3A_307 = arith.index_cast %swap3A_306 : i32 to index
    %swap3A_308 = arith.constant 0 : index
    %swap3A_309 = tpu.vector_load %arg8[%swap3A_307, %swap3A_308] {strides = array<i32>} : memref<4x128xi32, #tpu.memory_space<vmem>>, vector<1x16xi32>,
    %swap3A_310 = vector.shape_cast %swap3A_309 : vector<1x16xi32> to vector<16xi32>
    %swap3A_311 = vector.shape_cast %add3A_305 : vector<16xi32> to vector<1x16xi32>
    tpu.vector_store %arg8[%swap3A_307, %swap3A_308], %swap3A_311 {strides = array<i32>} : memref<4x128xi32, #tpu.memory_space<vmem>>, vector<1x16xi32>,
    %get3A_312 = arith.constant 144 : index
    %get3A_313 = tpu.vector_load %arg7[%get3A_312] {strides = array<i32>} : memref<512xi32, #tpu.memory_space<vmem>>, vector<16xi32>,
    %get3A_314 = vector.shape_cast %get3A_313 : vector<16xi32> to vector<16xi32>
    %iota3A_315 = tpu.iota {dimensions = array<i32: 0>} : vector<16xi32>
    %add3A_316 = arith.constant 16 : i32
    %add3A_317 = vector.broadcast %add3A_316 : i32 to vector<16xi32>
    %add3A_318 = arith.addi %add3A_317, %iota3A_315 : vector<16xi32>
    %mul3A_319 = arith.constant 4 : i32
    %mul3A_320 = arith.muli %add3A, %mul3A_319 : i32
    %add3A_321 = arith.constant 1 : i32
    %add3A_322 = arith.addi %mul3A_320, %add3A_321 : i32
    %shift_right_arithmetic3A_323 = arith.constant 3 : i32
    %shift_right_arithmetic3A_324 = vector.broadcast %shift_right_arithmetic3A_323 : i32 to vector<16xi32>
    %shift_right_arithmetic3A_325 = arith.shrsi %get3A_314, %shift_right_arithmetic3A_324 : vector<16xi32>
    %mul3A_326 = arith.constant 131072 : i32
    %mul3A_327 = vector.broadcast %mul3A_326 : i32 to vector<16xi32>
    %mul3A_328 = arith.muli %shift_right_arithmetic3A_325, %mul3A_327 : vector<16xi32>
    %and3A_329 = arith.constant 7 : i32
    %and3A_330 = vector.broadcast %and3A_329 : i32 to vector<16xi32>
    %and3A_331 = arith.andi %get3A_314, %and3A_330 : vector<16xi32>
    %shift_left3A_332 = arith.constant 7 : i32
    %shift_left3A_333 = vector.broadcast %shift_left3A_332 : i32 to vector<16xi32>
    %shift_left3A_334 = arith.shli %and3A_331, %shift_left3A_333 : vector<16xi32>
    %add3A_335 = arith.addi %mul3A_328, %shift_left3A_334 : vector<16xi32>
    %mul3A_336 = arith.constant 1024 : i32
    %mul3A_337 = arith.muli %add3A_322, %mul3A_336 : i32
    %add3A_338 = vector.broadcast %mul3A_337 : i32 to vector<16xi32>
    %add3A_339 = arith.addi %add3A_338, %add3A_318 : vector<16xi32>
    %add3A_340 = arith.addi %add3A_335, %add3A_339 : vector<16xi32>
    %swap3A_341 = arith.constant 1 : i32
    %swap3A_342 = arith.index_cast %swap3A_341 : i32 to index
    %swap3A_343 = arith.constant 16 : index
    %swap3A_344 = tpu.vector_load %arg8[%swap3A_342, %swap3A_343] {strides = array<i32>} : memref<4x128xi32, #tpu.memory_space<vmem>>, vector<1x16xi32>,
    %swap3A_345 = vector.shape_cast %swap3A_344 : vector<1x16xi32> to vector<16xi32>
    %swap3A_346 = vector.shape_cast %add3A_340 : vector<16xi32> to vector<1x16xi32>
    tpu.vector_store %arg8[%swap3A_342, %swap3A_343], %swap3A_346 {strides = array<i32>} : memref<4x128xi32, #tpu.memory_space<vmem>>, vector<1x16xi32>,
    %get3A_347 = arith.constant 160 : index
    %get3A_348 = tpu.vector_load %arg7[%get3A_347] {strides = array<i32>} : memref<512xi32, #tpu.memory_space<vmem>>, vector<16xi32>,
    %get3A_349 = vector.shape_cast %get3A_348 : vector<16xi32> to vector<16xi32>
    %iota3A_350 = tpu.iota {dimensions = array<i32: 0>} : vector<16xi32>
    %add3A_351 = arith.constant 32 : i32
    %add3A_352 = vector.broadcast %add3A_351 : i32 to vector<16xi32>
    %add3A_353 = arith.addi %add3A_352, %iota3A_350 : vector<16xi32>
    %mul3A_354 = arith.constant 4 : i32
    %mul3A_355 = arith.muli %add3A, %mul3A_354 : i32
    %add3A_356 = arith.constant 1 : i32
    %add3A_357 = arith.addi %mul3A_355, %add3A_356 : i32
    %shift_right_arithmetic3A_358 = arith.constant 3 : i32
    %shift_right_arithmetic3A_359 = vector.broadcast %shift_right_arithmetic3A_358 : i32 to vector<16xi32>
    %shift_right_arithmetic3A_360 = arith.shrsi %get3A_349, %shift_right_arithmetic3A_359 : vector<16xi32>
    %mul3A_361 = arith.constant 131072 : i32
    %mul3A_362 = vector.broadcast %mul3A_361 : i32 to vector<16xi32>
    %mul3A_363 = arith.muli %shift_right_arithmetic3A_360, %mul3A_362 : vector<16xi32>
    %and3A_364 = arith.constant 7 : i32
    %and3A_365 = vector.broadcast %and3A_364 : i32 to vector<16xi32>
    %and3A_366 = arith.andi %get3A_349, %and3A_365 : vector<16xi32>
    %shift_left3A_367 = arith.constant 7 : i32
    %shift_left3A_368 = vector.broadcast %shift_left3A_367 : i32 to vector<16xi32>
    %shift_left3A_369 = arith.shli %and3A_366, %shift_left3A_368 : vector<16xi32>
    %add3A_370 = arith.addi %mul3A_363, %shift_left3A_369 : vector<16xi32>
    %mul3A_371 = arith.constant 1024 : i32
    %mul3A_372 = arith.muli %add3A_357, %mul3A_371 : i32
    %add3A_373 = vector.broadcast %mul3A_372 : i32 to vector<16xi32>
    %add3A_374 = arith.addi %add3A_373, %add3A_353 : vector<16xi32>
    %add3A_375 = arith.addi %add3A_370, %add3A_374 : vector<16xi32>
    %swap3A_376 = arith.constant 1 : i32
    %swap3A_377 = arith.index_cast %swap3A_376 : i32 to index
    %swap3A_378 = arith.constant 32 : index
    %swap3A_379 = tpu.vector_load %arg8[%swap3A_377, %swap3A_378] {strides = array<i32>} : memref<4x128xi32, #tpu.memory_space<vmem>>, vector<1x16xi32>,
    %swap3A_380 = vector.shape_cast %swap3A_379 : vector<1x16xi32> to vector<16xi32>
    %swap3A_381 = vector.shape_cast %add3A_375 : vector<16xi32> to vector<1x16xi32>
    tpu.vector_store %arg8[%swap3A_377, %swap3A_378], %swap3A_381 {strides = array<i32>} : memref<4x128xi32, #tpu.memory_space<vmem>>, vector<1x16xi32>,
    %get3A_382 = arith.constant 176 : index
    %get3A_383 = tpu.vector_load %arg7[%get3A_382] {strides = array<i32>} : memref<512xi32, #tpu.memory_space<vmem>>, vector<16xi32>,
    %get3A_384 = vector.shape_cast %get3A_383 : vector<16xi32> to vector<16xi32>
    %iota3A_385 = tpu.iota {dimensions = array<i32: 0>} : vector<16xi32>
    %add3A_386 = arith.constant 48 : i32
    %add3A_387 = vector.broadcast %add3A_386 : i32 to vector<16xi32>
    %add3A_388 = arith.addi %add3A_387, %iota3A_385 : vector<16xi32>
    %mul3A_389 = arith.constant 4 : i32
    %mul3A_390 = arith.muli %add3A, %mul3A_389 : i32
    %add3A_391 = arith.constant 1 : i32
    %add3A_392 = arith.addi %mul3A_390, %add3A_391 : i32
    %shift_right_arithmetic3A_393 = arith.constant 3 : i32
    %shift_right_arithmetic3A_394 = vector.broadcast %shift_right_arithmetic3A_393 : i32 to vector<16xi32>
    %shift_right_arithmetic3A_395 = arith.shrsi %get3A_384, %shift_right_arithmetic3A_394 : vector<16xi32>
    %mul3A_396 = arith.constant 131072 : i32
    %mul3A_397 = vector.broadcast %mul3A_396 : i32 to vector<16xi32>
    %mul3A_398 = arith.muli %shift_right_arithmetic3A_395, %mul3A_397 : vector<16xi32>
    %and3A_399 = arith.constant 7 : i32
    %and3A_400 = vector.broadcast %and3A_399 : i32 to vector<16xi32>
    %and3A_401 = arith.andi %get3A_384, %and3A_400 : vector<16xi32>
    %shift_left3A_402 = arith.constant 7 : i32
    %shift_left3A_403 = vector.broadcast %shift_left3A_402 : i32 to vector<16xi32>
    %shift_left3A_404 = arith.shli %and3A_401, %shift_left3A_403 : vector<16xi32>
    %add3A_405 = arith.addi %mul3A_398, %shift_left3A_404 : vector<16xi32>
    %mul3A_406 = arith.constant 1024 : i32
    %mul3A_407 = arith.muli %add3A_392, %mul3A_406 : i32
    %add3A_408 = vector.broadcast %mul3A_407 : i32 to vector<16xi32>
    %add3A_409 = arith.addi %add3A_408, %add3A_388 : vector<16xi32>
    %add3A_410 = arith.addi %add3A_405, %add3A_409 : vector<16xi32>
    %swap3A_411 = arith.constant 1 : i32
    %swap3A_412 = arith.index_cast %swap3A_411 : i32 to index
    %swap3A_413 = arith.constant 48 : index
    %swap3A_414 = tpu.vector_load %arg8[%swap3A_412, %swap3A_413] {strides = array<i32>} : memref<4x128xi32, #tpu.memory_space<vmem>>, vector<1x16xi32>,
    %swap3A_415 = vector.shape_cast %swap3A_414 : vector<1x16xi32> to vector<16xi32>
    %swap3A_416 = vector.shape_cast %add3A_410 : vector<16xi32> to vector<1x16xi32>
    tpu.vector_store %arg8[%swap3A_412, %swap3A_413], %swap3A_416 {strides = array<i32>} : memref<4x128xi32, #tpu.memory_space<vmem>>, vector<1x16xi32>,
    %get3A_417 = arith.constant 192 : index
    %get3A_418 = tpu.vector_load %arg7[%get3A_417] {strides = array<i32>} : memref<512xi32, #tpu.memory_space<vmem>>, vector<16xi32>,
    %get3A_419 = vector.shape_cast %get3A_418 : vector<16xi32> to vector<16xi32>
    %iota3A_420 = tpu.iota {dimensions = array<i32: 0>} : vector<16xi32>
    %add3A_421 = arith.constant 64 : i32
    %add3A_422 = vector.broadcast %add3A_421 : i32 to vector<16xi32>
    %add3A_423 = arith.addi %add3A_422, %iota3A_420 : vector<16xi32>
    %mul3A_424 = arith.constant 4 : i32
    %mul3A_425 = arith.muli %add3A, %mul3A_424 : i32
    %add3A_426 = arith.constant 1 : i32
    %add3A_427 = arith.addi %mul3A_425, %add3A_426 : i32
    %shift_right_arithmetic3A_428 = arith.constant 3 : i32
    %shift_right_arithmetic3A_429 = vector.broadcast %shift_right_arithmetic3A_428 : i32 to vector<16xi32>
    %shift_right_arithmetic3A_430 = arith.shrsi %get3A_419, %shift_right_arithmetic3A_429 : vector<16xi32>
    %mul3A_431 = arith.constant 131072 : i32
    %mul3A_432 = vector.broadcast %mul3A_431 : i32 to vector<16xi32>
    %mul3A_433 = arith.muli %shift_right_arithmetic3A_430, %mul3A_432 : vector<16xi32>
    %and3A_434 = arith.constant 7 : i32
    %and3A_435 = vector.broadcast %and3A_434 : i32 to vector<16xi32>
    %and3A_436 = arith.andi %get3A_419, %and3A_435 : vector<16xi32>
    %shift_left3A_437 = arith.constant 7 : i32
    %shift_left3A_438 = vector.broadcast %shift_left3A_437 : i32 to vector<16xi32>
    %shift_left3A_439 = arith.shli %and3A_436, %shift_left3A_438 : vector<16xi32>
    %add3A_440 = arith.addi %mul3A_433, %shift_left3A_439 : vector<16xi32>
    %mul3A_441 = arith.constant 1024 : i32
    %mul3A_442 = arith.muli %add3A_427, %mul3A_441 : i32
    %add3A_443 = vector.broadcast %mul3A_442 : i32 to vector<16xi32>
    %add3A_444 = arith.addi %add3A_443, %add3A_423 : vector<16xi32>
    %add3A_445 = arith.addi %add3A_440, %add3A_444 : vector<16xi32>
    %swap3A_446 = arith.constant 1 : i32
    %swap3A_447 = arith.index_cast %swap3A_446 : i32 to index
    %swap3A_448 = arith.constant 64 : index
    %swap3A_449 = tpu.vector_load %arg8[%swap3A_447, %swap3A_448] {strides = array<i32>} : memref<4x128xi32, #tpu.memory_space<vmem>>, vector<1x16xi32>,
    %swap3A_450 = vector.shape_cast %swap3A_449 : vector<1x16xi32> to vector<16xi32>
    %swap3A_451 = vector.shape_cast %add3A_445 : vector<16xi32> to vector<1x16xi32>
    tpu.vector_store %arg8[%swap3A_447, %swap3A_448], %swap3A_451 {strides = array<i32>} : memref<4x128xi32, #tpu.memory_space<vmem>>, vector<1x16xi32>,
    %get3A_452 = arith.constant 208 : index
    %get3A_453 = tpu.vector_load %arg7[%get3A_452] {strides = array<i32>} : memref<512xi32, #tpu.memory_space<vmem>>, vector<16xi32>,
    %get3A_454 = vector.shape_cast %get3A_453 : vector<16xi32> to vector<16xi32>
    %iota3A_455 = tpu.iota {dimensions = array<i32: 0>} : vector<16xi32>
    %add3A_456 = arith.constant 80 : i32
    %add3A_457 = vector.broadcast %add3A_456 : i32 to vector<16xi32>
    %add3A_458 = arith.addi %add3A_457, %iota3A_455 : vector<16xi32>
    %mul3A_459 = arith.constant 4 : i32
    %mul3A_460 = arith.muli %add3A, %mul3A_459 : i32
    %add3A_461 = arith.constant 1 : i32
    %add3A_462 = arith.addi %mul3A_460, %add3A_461 : i32
    %shift_right_arithmetic3A_463 = arith.constant 3 : i32
    %shift_right_arithmetic3A_464 = vector.broadcast %shift_right_arithmetic3A_463 : i32 to vector<16xi32>
    %shift_right_arithmetic3A_465 = arith.shrsi %get3A_454, %shift_right_arithmetic3A_464 : vector<16xi32>
    %mul3A_466 = arith.constant 131072 : i32
    %mul3A_467 = vector.broadcast %mul3A_466 : i32 to vector<16xi32>
    %mul3A_468 = arith.muli %shift_right_arithmetic3A_465, %mul3A_467 : vector<16xi32>
    %and3A_469 = arith.constant 7 : i32
    %and3A_470 = vector.broadcast %and3A_469 : i32 to vector<16xi32>
    %and3A_471 = arith.andi %get3A_454, %and3A_470 : vector<16xi32>
    %shift_left3A_472 = arith.constant 7 : i32
    %shift_left3A_473 = vector.broadcast %shift_left3A_472 : i32 to vector<16xi32>
    %shift_left3A_474 = arith.shli %and3A_471, %shift_left3A_473 : vector<16xi32>
    %add3A_475 = arith.addi %mul3A_468, %shift_left3A_474 : vector<16xi32>
    %mul3A_476 = arith.constant 1024 : i32
    %mul3A_477 = arith.muli %add3A_462, %mul3A_476 : i32
    %add3A_478 = vector.broadcast %mul3A_477 : i32 to vector<16xi32>
    %add3A_479 = arith.addi %add3A_478, %add3A_458 : vector<16xi32>
    %add3A_480 = arith.addi %add3A_475, %add3A_479 : vector<16xi32>
    %swap3A_481 = arith.constant 1 : i32
    %swap3A_482 = arith.index_cast %swap3A_481 : i32 to index
    %swap3A_483 = arith.constant 80 : index
    %swap3A_484 = tpu.vector_load %arg8[%swap3A_482, %swap3A_483] {strides = array<i32>} : memref<4x128xi32, #tpu.memory_space<vmem>>, vector<1x16xi32>,
    %swap3A_485 = vector.shape_cast %swap3A_484 : vector<1x16xi32> to vector<16xi32>
    %swap3A_486 = vector.shape_cast %add3A_480 : vector<16xi32> to vector<1x16xi32>
    tpu.vector_store %arg8[%swap3A_482, %swap3A_483], %swap3A_486 {strides = array<i32>} : memref<4x128xi32, #tpu.memory_space<vmem>>, vector<1x16xi32>,
    %get3A_487 = arith.constant 224 : index
    %get3A_488 = tpu.vector_load %arg7[%get3A_487] {strides = array<i32>} : memref<512xi32, #tpu.memory_space<vmem>>, vector<16xi32>,
    %get3A_489 = vector.shape_cast %get3A_488 : vector<16xi32> to vector<16xi32>
    %iota3A_490 = tpu.iota {dimensions = array<i32: 0>} : vector<16xi32>
    %add3A_491 = arith.constant 96 : i32
    %add3A_492 = vector.broadcast %add3A_491 : i32 to vector<16xi32>
    %add3A_493 = arith.addi %add3A_492, %iota3A_490 : vector<16xi32>
    %mul3A_494 = arith.constant 4 : i32
    %mul3A_495 = arith.muli %add3A, %mul3A_494 : i32
    %add3A_496 = arith.constant 1 : i32
    %add3A_497 = arith.addi %mul3A_495, %add3A_496 : i32
    %shift_right_arithmetic3A_498 = arith.constant 3 : i32
    %shift_right_arithmetic3A_499 = vector.broadcast %shift_right_arithmetic3A_498 : i32 to vector<16xi32>
    %shift_right_arithmetic3A_500 = arith.shrsi %get3A_489, %shift_right_arithmetic3A_499 : vector<16xi32>
    %mul3A_501 = arith.constant 131072 : i32
    %mul3A_502 = vector.broadcast %mul3A_501 : i32 to vector<16xi32>
    %mul3A_503 = arith.muli %shift_right_arithmetic3A_500, %mul3A_502 : vector<16xi32>
    %and3A_504 = arith.constant 7 : i32
    %and3A_505 = vector.broadcast %and3A_504 : i32 to vector<16xi32>
    %and3A_506 = arith.andi %get3A_489, %and3A_505 : vector<16xi32>
    %shift_left3A_507 = arith.constant 7 : i32
    %shift_left3A_508 = vector.broadcast %shift_left3A_507 : i32 to vector<16xi32>
    %shift_left3A_509 = arith.shli %and3A_506, %shift_left3A_508 : vector<16xi32>
    %add3A_510 = arith.addi %mul3A_503, %shift_left3A_509 : vector<16xi32>
    %mul3A_511 = arith.constant 1024 : i32
    %mul3A_512 = arith.muli %add3A_497, %mul3A_511 : i32
    %add3A_513 = vector.broadcast %mul3A_512 : i32 to vector<16xi32>
    %add3A_514 = arith.addi %add3A_513, %add3A_493 : vector<16xi32>
    %add3A_515 = arith.addi %add3A_510, %add3A_514 : vector<16xi32>
    %swap3A_516 = arith.constant 1 : i32
    %swap3A_517 = arith.index_cast %swap3A_516 : i32 to index
    %swap3A_518 = arith.constant 96 : index
    %swap3A_519 = tpu.vector_load %arg8[%swap3A_517, %swap3A_518] {strides = array<i32>} : memref<4x128xi32, #tpu.memory_space<vmem>>, vector<1x16xi32>,
    %swap3A_520 = vector.shape_cast %swap3A_519 : vector<1x16xi32> to vector<16xi32>
    %swap3A_521 = vector.shape_cast %add3A_515 : vector<16xi32> to vector<1x16xi32>
    tpu.vector_store %arg8[%swap3A_517, %swap3A_518], %swap3A_521 {strides = array<i32>} : memref<4x128xi32, #tpu.memory_space<vmem>>, vector<1x16xi32>,
    %get3A_522 = arith.constant 240 : index
    %get3A_523 = tpu.vector_load %arg7[%get3A_522] {strides = array<i32>} : memref<512xi32, #tpu.memory_space<vmem>>, vector<16xi32>,
    %get3A_524 = vector.shape_cast %get3A_523 : vector<16xi32> to vector<16xi32>
    %iota3A_525 = tpu.iota {dimensions = array<i32: 0>} : vector<16xi32>
    %add3A_526 = arith.constant 112 : i32
    %add3A_527 = vector.broadcast %add3A_526 : i32 to vector<16xi32>
    %add3A_528 = arith.addi %add3A_527, %iota3A_525 : vector<16xi32>
    %mul3A_529 = arith.constant 4 : i32
    %mul3A_530 = arith.muli %add3A, %mul3A_529 : i32
    %add3A_531 = arith.constant 1 : i32
    %add3A_532 = arith.addi %mul3A_530, %add3A_531 : i32
    %shift_right_arithmetic3A_533 = arith.constant 3 : i32
    %shift_right_arithmetic3A_534 = vector.broadcast %shift_right_arithmetic3A_533 : i32 to vector<16xi32>
    %shift_right_arithmetic3A_535 = arith.shrsi %get3A_524, %shift_right_arithmetic3A_534 : vector<16xi32>
    %mul3A_536 = arith.constant 131072 : i32
    %mul3A_537 = vector.broadcast %mul3A_536 : i32 to vector<16xi32>
    %mul3A_538 = arith.muli %shift_right_arithmetic3A_535, %mul3A_537 : vector<16xi32>
    %and3A_539 = arith.constant 7 : i32
    %and3A_540 = vector.broadcast %and3A_539 : i32 to vector<16xi32>
    %and3A_541 = arith.andi %get3A_524, %and3A_540 : vector<16xi32>
    %shift_left3A_542 = arith.constant 7 : i32
    %shift_left3A_543 = vector.broadcast %shift_left3A_542 : i32 to vector<16xi32>
    %shift_left3A_544 = arith.shli %and3A_541, %shift_left3A_543 : vector<16xi32>
    %add3A_545 = arith.addi %mul3A_538, %shift_left3A_544 : vector<16xi32>
    %mul3A_546 = arith.constant 1024 : i32
    %mul3A_547 = arith.muli %add3A_532, %mul3A_546 : i32
    %add3A_548 = vector.broadcast %mul3A_547 : i32 to vector<16xi32>
    %add3A_549 = arith.addi %add3A_548, %add3A_528 : vector<16xi32>
    %add3A_550 = arith.addi %add3A_545, %add3A_549 : vector<16xi32>
    %swap3A_551 = arith.constant 1 : i32
    %swap3A_552 = arith.index_cast %swap3A_551 : i32 to index
    %swap3A_553 = arith.constant 112 : index
    %swap3A_554 = tpu.vector_load %arg8[%swap3A_552, %swap3A_553] {strides = array<i32>} : memref<4x128xi32, #tpu.memory_space<vmem>>, vector<1x16xi32>,
    %swap3A_555 = vector.shape_cast %swap3A_554 : vector<1x16xi32> to vector<16xi32>
    %swap3A_556 = vector.shape_cast %add3A_550 : vector<16xi32> to vector<1x16xi32>
    tpu.vector_store %arg8[%swap3A_552, %swap3A_553], %swap3A_556 {strides = array<i32>} : memref<4x128xi32, #tpu.memory_space<vmem>>, vector<1x16xi32>,
    %get3A_557 = arith.constant 256 : index
    %get3A_558 = tpu.vector_load %arg7[%get3A_557] {strides = array<i32>} : memref<512xi32, #tpu.memory_space<vmem>>, vector<16xi32>,
    %get3A_559 = vector.shape_cast %get3A_558 : vector<16xi32> to vector<16xi32>
    %iota3A_560 = tpu.iota {dimensions = array<i32: 0>} : vector<16xi32>
    %add3A_561 = arith.constant 0 : i32
    %add3A_562 = vector.broadcast %add3A_561 : i32 to vector<16xi32>
    %add3A_563 = arith.addi %add3A_562, %iota3A_560 : vector<16xi32>
    %mul3A_564 = arith.constant 4 : i32
    %mul3A_565 = arith.muli %add3A, %mul3A_564 : i32
    %add3A_566 = arith.constant 2 : i32
    %add3A_567 = arith.addi %mul3A_565, %add3A_566 : i32
    %shift_right_arithmetic3A_568 = arith.constant 3 : i32
    %shift_right_arithmetic3A_569 = vector.broadcast %shift_right_arithmetic3A_568 : i32 to vector<16xi32>
    %shift_right_arithmetic3A_570 = arith.shrsi %get3A_559, %shift_right_arithmetic3A_569 : vector<16xi32>
    %mul3A_571 = arith.constant 131072 : i32
    %mul3A_572 = vector.broadcast %mul3A_571 : i32 to vector<16xi32>
    %mul3A_573 = arith.muli %shift_right_arithmetic3A_570, %mul3A_572 : vector<16xi32>
    %and3A_574 = arith.constant 7 : i32
    %and3A_575 = vector.broadcast %and3A_574 : i32 to vector<16xi32>
    %and3A_576 = arith.andi %get3A_559, %and3A_575 : vector<16xi32>
    %shift_left3A_577 = arith.constant 7 : i32
    %shift_left3A_578 = vector.broadcast %shift_left3A_577 : i32 to vector<16xi32>
    %shift_left3A_579 = arith.shli %and3A_576, %shift_left3A_578 : vector<16xi32>
    %add3A_580 = arith.addi %mul3A_573, %shift_left3A_579 : vector<16xi32>
    %mul3A_581 = arith.constant 1024 : i32
    %mul3A_582 = arith.muli %add3A_567, %mul3A_581 : i32
    %add3A_583 = vector.broadcast %mul3A_582 : i32 to vector<16xi32>
    %add3A_584 = arith.addi %add3A_583, %add3A_563 : vector<16xi32>
    %add3A_585 = arith.addi %add3A_580, %add3A_584 : vector<16xi32>
    %swap3A_586 = arith.constant 2 : i32
    %swap3A_587 = arith.index_cast %swap3A_586 : i32 to index
    %swap3A_588 = arith.constant 0 : index
    %swap3A_589 = tpu.vector_load %arg8[%swap3A_587, %swap3A_588] {strides = array<i32>} : memref<4x128xi32, #tpu.memory_space<vmem>>, vector<1x16xi32>,
    %swap3A_590 = vector.shape_cast %swap3A_589 : vector<1x16xi32> to vector<16xi32>
    %swap3A_591 = vector.shape_cast %add3A_585 : vector<16xi32> to vector<1x16xi32>
    tpu.vector_store %arg8[%swap3A_587, %swap3A_588], %swap3A_591 {strides = array<i32>} : memref<4x128xi32, #tpu.memory_space<vmem>>, vector<1x16xi32>,
    %get3A_592 = arith.constant 272 : index
    %get3A_593 = tpu.vector_load %arg7[%get3A_592] {strides = array<i32>} : memref<512xi32, #tpu.memory_space<vmem>>, vector<16xi32>,
    %get3A_594 = vector.shape_cast %get3A_593 : vector<16xi32> to vector<16xi32>
    %iota3A_595 = tpu.iota {dimensions = array<i32: 0>} : vector<16xi32>
    %add3A_596 = arith.constant 16 : i32
    %add3A_597 = vector.broadcast %add3A_596 : i32 to vector<16xi32>
    %add3A_598 = arith.addi %add3A_597, %iota3A_595 : vector<16xi32>
    %mul3A_599 = arith.constant 4 : i32
    %mul3A_600 = arith.muli %add3A, %mul3A_599 : i32
    %add3A_601 = arith.constant 2 : i32
    %add3A_602 = arith.addi %mul3A_600, %add3A_601 : i32
    %shift_right_arithmetic3A_603 = arith.constant 3 : i32
    %shift_right_arithmetic3A_604 = vector.broadcast %shift_right_arithmetic3A_603 : i32 to vector<16xi32>
    %shift_right_arithmetic3A_605 = arith.shrsi %get3A_594, %shift_right_arithmetic3A_604 : vector<16xi32>
    %mul3A_606 = arith.constant 131072 : i32
    %mul3A_607 = vector.broadcast %mul3A_606 : i32 to vector<16xi32>
    %mul3A_608 = arith.muli %shift_right_arithmetic3A_605, %mul3A_607 : vector<16xi32>
    %and3A_609 = arith.constant 7 : i32
    %and3A_610 = vector.broadcast %and3A_609 : i32 to vector<16xi32>
    %and3A_611 = arith.andi %get3A_594, %and3A_610 : vector<16xi32>
    %shift_left3A_612 = arith.constant 7 : i32
    %shift_left3A_613 = vector.broadcast %shift_left3A_612 : i32 to vector<16xi32>
    %shift_left3A_614 = arith.shli %and3A_611, %shift_left3A_613 : vector<16xi32>
    %add3A_615 = arith.addi %mul3A_608, %shift_left3A_614 : vector<16xi32>
    %mul3A_616 = arith.constant 1024 : i32
    %mul3A_617 = arith.muli %add3A_602, %mul3A_616 : i32
    %add3A_618 = vector.broadcast %mul3A_617 : i32 to vector<16xi32>
    %add3A_619 = arith.addi %add3A_618, %add3A_598 : vector<16xi32>
    %add3A_620 = arith.addi %add3A_615, %add3A_619 : vector<16xi32>
    %swap3A_621 = arith.constant 2 : i32
    %swap3A_622 = arith.index_cast %swap3A_621 : i32 to index
    %swap3A_623 = arith.constant 16 : index
    %swap3A_624 = tpu.vector_load %arg8[%swap3A_622, %swap3A_623] {strides = array<i32>} : memref<4x128xi32, #tpu.memory_space<vmem>>, vector<1x16xi32>,
    %swap3A_625 = vector.shape_cast %swap3A_624 : vector<1x16xi32> to vector<16xi32>
    %swap3A_626 = vector.shape_cast %add3A_620 : vector<16xi32> to vector<1x16xi32>
    tpu.vector_store %arg8[%swap3A_622, %swap3A_623], %swap3A_626 {strides = array<i32>} : memref<4x128xi32, #tpu.memory_space<vmem>>, vector<1x16xi32>,
    %get3A_627 = arith.constant 288 : index
    %get3A_628 = tpu.vector_load %arg7[%get3A_627] {strides = array<i32>} : memref<512xi32, #tpu.memory_space<vmem>>, vector<16xi32>,
    %get3A_629 = vector.shape_cast %get3A_628 : vector<16xi32> to vector<16xi32>
    %iota3A_630 = tpu.iota {dimensions = array<i32: 0>} : vector<16xi32>
    %add3A_631 = arith.constant 32 : i32
    %add3A_632 = vector.broadcast %add3A_631 : i32 to vector<16xi32>
    %add3A_633 = arith.addi %add3A_632, %iota3A_630 : vector<16xi32>
    %mul3A_634 = arith.constant 4 : i32
    %mul3A_635 = arith.muli %add3A, %mul3A_634 : i32
    %add3A_636 = arith.constant 2 : i32
    %add3A_637 = arith.addi %mul3A_635, %add3A_636 : i32
    %shift_right_arithmetic3A_638 = arith.constant 3 : i32
    %shift_right_arithmetic3A_639 = vector.broadcast %shift_right_arithmetic3A_638 : i32 to vector<16xi32>
    %shift_right_arithmetic3A_640 = arith.shrsi %get3A_629, %shift_right_arithmetic3A_639 : vector<16xi32>
    %mul3A_641 = arith.constant 131072 : i32
    %mul3A_642 = vector.broadcast %mul3A_641 : i32 to vector<16xi32>
    %mul3A_643 = arith.muli %shift_right_arithmetic3A_640, %mul3A_642 : vector<16xi32>
    %and3A_644 = arith.constant 7 : i32
    %and3A_645 = vector.broadcast %and3A_644 : i32 to vector<16xi32>
    %and3A_646 = arith.andi %get3A_629, %and3A_645 : vector<16xi32>
    %shift_left3A_647 = arith.constant 7 : i32
    %shift_left3A_648 = vector.broadcast %shift_left3A_647 : i32 to vector<16xi32>
    %shift_left3A_649 = arith.shli %and3A_646, %shift_left3A_648 : vector<16xi32>
    %add3A_650 = arith.addi %mul3A_643, %shift_left3A_649 : vector<16xi32>
    %mul3A_651 = arith.constant 1024 : i32
    %mul3A_652 = arith.muli %add3A_637, %mul3A_651 : i32
    %add3A_653 = vector.broadcast %mul3A_652 : i32 to vector<16xi32>
    %add3A_654 = arith.addi %add3A_653, %add3A_633 : vector<16xi32>
    %add3A_655 = arith.addi %add3A_650, %add3A_654 : vector<16xi32>
    %swap3A_656 = arith.constant 2 : i32
    %swap3A_657 = arith.index_cast %swap3A_656 : i32 to index
    %swap3A_658 = arith.constant 32 : index
    %swap3A_659 = tpu.vector_load %arg8[%swap3A_657, %swap3A_658] {strides = array<i32>} : memref<4x128xi32, #tpu.memory_space<vmem>>, vector<1x16xi32>,
    %swap3A_660 = vector.shape_cast %swap3A_659 : vector<1x16xi32> to vector<16xi32>
    %swap3A_661 = vector.shape_cast %add3A_655 : vector<16xi32> to vector<1x16xi32>
    tpu.vector_store %arg8[%swap3A_657, %swap3A_658], %swap3A_661 {strides = array<i32>} : memref<4x128xi32, #tpu.memory_space<vmem>>, vector<1x16xi32>,
    %get3A_662 = arith.constant 304 : index
    %get3A_663 = tpu.vector_load %arg7[%get3A_662] {strides = array<i32>} : memref<512xi32, #tpu.memory_space<vmem>>, vector<16xi32>,
    %get3A_664 = vector.shape_cast %get3A_663 : vector<16xi32> to vector<16xi32>
    %iota3A_665 = tpu.iota {dimensions = array<i32: 0>} : vector<16xi32>
    %add3A_666 = arith.constant 48 : i32
    %add3A_667 = vector.broadcast %add3A_666 : i32 to vector<16xi32>
    %add3A_668 = arith.addi %add3A_667, %iota3A_665 : vector<16xi32>
    %mul3A_669 = arith.constant 4 : i32
    %mul3A_670 = arith.muli %add3A, %mul3A_669 : i32
    %add3A_671 = arith.constant 2 : i32
    %add3A_672 = arith.addi %mul3A_670, %add3A_671 : i32
    %shift_right_arithmetic3A_673 = arith.constant 3 : i32
    %shift_right_arithmetic3A_674 = vector.broadcast %shift_right_arithmetic3A_673 : i32 to vector<16xi32>
    %shift_right_arithmetic3A_675 = arith.shrsi %get3A_664, %shift_right_arithmetic3A_674 : vector<16xi32>
    %mul3A_676 = arith.constant 131072 : i32
    %mul3A_677 = vector.broadcast %mul3A_676 : i32 to vector<16xi32>
    %mul3A_678 = arith.muli %shift_right_arithmetic3A_675, %mul3A_677 : vector<16xi32>
    %and3A_679 = arith.constant 7 : i32
    %and3A_680 = vector.broadcast %and3A_679 : i32 to vector<16xi32>
    %and3A_681 = arith.andi %get3A_664, %and3A_680 : vector<16xi32>
    %shift_left3A_682 = arith.constant 7 : i32
    %shift_left3A_683 = vector.broadcast %shift_left3A_682 : i32 to vector<16xi32>
    %shift_left3A_684 = arith.shli %and3A_681, %shift_left3A_683 : vector<16xi32>
    %add3A_685 = arith.addi %mul3A_678, %shift_left3A_684 : vector<16xi32>
    %mul3A_686 = arith.constant 1024 : i32
    %mul3A_687 = arith.muli %add3A_672, %mul3A_686 : i32
    %add3A_688 = vector.broadcast %mul3A_687 : i32 to vector<16xi32>
    %add3A_689 = arith.addi %add3A_688, %add3A_668 : vector<16xi32>
    %add3A_690 = arith.addi %add3A_685, %add3A_689 : vector<16xi32>
    %swap3A_691 = arith.constant 2 : i32
    %swap3A_692 = arith.index_cast %swap3A_691 : i32 to index
    %swap3A_693 = arith.constant 48 : index
    %swap3A_694 = tpu.vector_load %arg8[%swap3A_692, %swap3A_693] {strides = array<i32>} : memref<4x128xi32, #tpu.memory_space<vmem>>, vector<1x16xi32>,
    %swap3A_695 = vector.shape_cast %swap3A_694 : vector<1x16xi32> to vector<16xi32>
    %swap3A_696 = vector.shape_cast %add3A_690 : vector<16xi32> to vector<1x16xi32>
    tpu.vector_store %arg8[%swap3A_692, %swap3A_693], %swap3A_696 {strides = array<i32>} : memref<4x128xi32, #tpu.memory_space<vmem>>, vector<1x16xi32>,
    %get3A_697 = arith.constant 320 : index
    %get3A_698 = tpu.vector_load %arg7[%get3A_697] {strides = array<i32>} : memref<512xi32, #tpu.memory_space<vmem>>, vector<16xi32>,
    %get3A_699 = vector.shape_cast %get3A_698 : vector<16xi32> to vector<16xi32>
    %iota3A_700 = tpu.iota {dimensions = array<i32: 0>} : vector<16xi32>
    %add3A_701 = arith.constant 64 : i32
    %add3A_702 = vector.broadcast %add3A_701 : i32 to vector<16xi32>
    %add3A_703 = arith.addi %add3A_702, %iota3A_700 : vector<16xi32>
    %mul3A_704 = arith.constant 4 : i32
    %mul3A_705 = arith.muli %add3A, %mul3A_704 : i32
    %add3A_706 = arith.constant 2 : i32
    %add3A_707 = arith.addi %mul3A_705, %add3A_706 : i32
    %shift_right_arithmetic3A_708 = arith.constant 3 : i32
    %shift_right_arithmetic3A_709 = vector.broadcast %shift_right_arithmetic3A_708 : i32 to vector<16xi32>
    %shift_right_arithmetic3A_710 = arith.shrsi %get3A_699, %shift_right_arithmetic3A_709 : vector<16xi32>
    %mul3A_711 = arith.constant 131072 : i32
    %mul3A_712 = vector.broadcast %mul3A_711 : i32 to vector<16xi32>
    %mul3A_713 = arith.muli %shift_right_arithmetic3A_710, %mul3A_712 : vector<16xi32>
    %and3A_714 = arith.constant 7 : i32
    %and3A_715 = vector.broadcast %and3A_714 : i32 to vector<16xi32>
    %and3A_716 = arith.andi %get3A_699, %and3A_715 : vector<16xi32>
    %shift_left3A_717 = arith.constant 7 : i32
    %shift_left3A_718 = vector.broadcast %shift_left3A_717 : i32 to vector<16xi32>
    %shift_left3A_719 = arith.shli %and3A_716, %shift_left3A_718 : vector<16xi32>
    %add3A_720 = arith.addi %mul3A_713, %shift_left3A_719 : vector<16xi32>
    %mul3A_721 = arith.constant 1024 : i32
    %mul3A_722 = arith.muli %add3A_707, %mul3A_721 : i32
    %add3A_723 = vector.broadcast %mul3A_722 : i32 to vector<16xi32>
    %add3A_724 = arith.addi %add3A_723, %add3A_703 : vector<16xi32>
    %add3A_725 = arith.addi %add3A_720, %add3A_724 : vector<16xi32>
    %swap3A_726 = arith.constant 2 : i32
    %swap3A_727 = arith.index_cast %swap3A_726 : i32 to index
    %swap3A_728 = arith.constant 64 : index
    %swap3A_729 = tpu.vector_load %arg8[%swap3A_727, %swap3A_728] {strides = array<i32>} : memref<4x128xi32, #tpu.memory_space<vmem>>, vector<1x16xi32>,
    %swap3A_730 = vector.shape_cast %swap3A_729 : vector<1x16xi32> to vector<16xi32>
    %swap3A_731 = vector.shape_cast %add3A_725 : vector<16xi32> to vector<1x16xi32>
    tpu.vector_store %arg8[%swap3A_727, %swap3A_728], %swap3A_731 {strides = array<i32>} : memref<4x128xi32, #tpu.memory_space<vmem>>, vector<1x16xi32>,
    %get3A_732 = arith.constant 336 : index
    %get3A_733 = tpu.vector_load %arg7[%get3A_732] {strides = array<i32>} : memref<512xi32, #tpu.memory_space<vmem>>, vector<16xi32>,
    %get3A_734 = vector.shape_cast %get3A_733 : vector<16xi32> to vector<16xi32>
    %iota3A_735 = tpu.iota {dimensions = array<i32: 0>} : vector<16xi32>
    %add3A_736 = arith.constant 80 : i32
    %add3A_737 = vector.broadcast %add3A_736 : i32 to vector<16xi32>
    %add3A_738 = arith.addi %add3A_737, %iota3A_735 : vector<16xi32>
    %mul3A_739 = arith.constant 4 : i32
    %mul3A_740 = arith.muli %add3A, %mul3A_739 : i32
    %add3A_741 = arith.constant 2 : i32
    %add3A_742 = arith.addi %mul3A_740, %add3A_741 : i32
    %shift_right_arithmetic3A_743 = arith.constant 3 : i32
    %shift_right_arithmetic3A_744 = vector.broadcast %shift_right_arithmetic3A_743 : i32 to vector<16xi32>
    %shift_right_arithmetic3A_745 = arith.shrsi %get3A_734, %shift_right_arithmetic3A_744 : vector<16xi32>
    %mul3A_746 = arith.constant 131072 : i32
    %mul3A_747 = vector.broadcast %mul3A_746 : i32 to vector<16xi32>
    %mul3A_748 = arith.muli %shift_right_arithmetic3A_745, %mul3A_747 : vector<16xi32>
    %and3A_749 = arith.constant 7 : i32
    %and3A_750 = vector.broadcast %and3A_749 : i32 to vector<16xi32>
    %and3A_751 = arith.andi %get3A_734, %and3A_750 : vector<16xi32>
    %shift_left3A_752 = arith.constant 7 : i32
    %shift_left3A_753 = vector.broadcast %shift_left3A_752 : i32 to vector<16xi32>
    %shift_left3A_754 = arith.shli %and3A_751, %shift_left3A_753 : vector<16xi32>
    %add3A_755 = arith.addi %mul3A_748, %shift_left3A_754 : vector<16xi32>
    %mul3A_756 = arith.constant 1024 : i32
    %mul3A_757 = arith.muli %add3A_742, %mul3A_756 : i32
    %add3A_758 = vector.broadcast %mul3A_757 : i32 to vector<16xi32>
    %add3A_759 = arith.addi %add3A_758, %add3A_738 : vector<16xi32>
    %add3A_760 = arith.addi %add3A_755, %add3A_759 : vector<16xi32>
    %swap3A_761 = arith.constant 2 : i32
    %swap3A_762 = arith.index_cast %swap3A_761 : i32 to index
    %swap3A_763 = arith.constant 80 : index
    %swap3A_764 = tpu.vector_load %arg8[%swap3A_762, %swap3A_763] {strides = array<i32>} : memref<4x128xi32, #tpu.memory_space<vmem>>, vector<1x16xi32>,
    %swap3A_765 = vector.shape_cast %swap3A_764 : vector<1x16xi32> to vector<16xi32>
    %swap3A_766 = vector.shape_cast %add3A_760 : vector<16xi32> to vector<1x16xi32>
    tpu.vector_store %arg8[%swap3A_762, %swap3A_763], %swap3A_766 {strides = array<i32>} : memref<4x128xi32, #tpu.memory_space<vmem>>, vector<1x16xi32>,
    %get3A_767 = arith.constant 352 : index
    %get3A_768 = tpu.vector_load %arg7[%get3A_767] {strides = array<i32>} : memref<512xi32, #tpu.memory_space<vmem>>, vector<16xi32>,
    %get3A_769 = vector.shape_cast %get3A_768 : vector<16xi32> to vector<16xi32>
    %iota3A_770 = tpu.iota {dimensions = array<i32: 0>} : vector<16xi32>
    %add3A_771 = arith.constant 96 : i32
    %add3A_772 = vector.broadcast %add3A_771 : i32 to vector<16xi32>
    %add3A_773 = arith.addi %add3A_772, %iota3A_770 : vector<16xi32>
    %mul3A_774 = arith.constant 4 : i32
    %mul3A_775 = arith.muli %add3A, %mul3A_774 : i32
    %add3A_776 = arith.constant 2 : i32
    %add3A_777 = arith.addi %mul3A_775, %add3A_776 : i32
    %shift_right_arithmetic3A_778 = arith.constant 3 : i32
    %shift_right_arithmetic3A_779 = vector.broadcast %shift_right_arithmetic3A_778 : i32 to vector<16xi32>
    %shift_right_arithmetic3A_780 = arith.shrsi %get3A_769, %shift_right_arithmetic3A_779 : vector<16xi32>
    %mul3A_781 = arith.constant 131072 : i32
    %mul3A_782 = vector.broadcast %mul3A_781 : i32 to vector<16xi32>
    %mul3A_783 = arith.muli %shift_right_arithmetic3A_780, %mul3A_782 : vector<16xi32>
    %and3A_784 = arith.constant 7 : i32
    %and3A_785 = vector.broadcast %and3A_784 : i32 to vector<16xi32>
    %and3A_786 = arith.andi %get3A_769, %and3A_785 : vector<16xi32>
    %shift_left3A_787 = arith.constant 7 : i32
    %shift_left3A_788 = vector.broadcast %shift_left3A_787 : i32 to vector<16xi32>
    %shift_left3A_789 = arith.shli %and3A_786, %shift_left3A_788 : vector<16xi32>
    %add3A_790 = arith.addi %mul3A_783, %shift_left3A_789 : vector<16xi32>
    %mul3A_791 = arith.constant 1024 : i32
    %mul3A_792 = arith.muli %add3A_777, %mul3A_791 : i32
    %add3A_793 = vector.broadcast %mul3A_792 : i32 to vector<16xi32>
    %add3A_794 = arith.addi %add3A_793, %add3A_773 : vector<16xi32>
    %add3A_795 = arith.addi %add3A_790, %add3A_794 : vector<16xi32>
    %swap3A_796 = arith.constant 2 : i32
    %swap3A_797 = arith.index_cast %swap3A_796 : i32 to index
    %swap3A_798 = arith.constant 96 : index
    %swap3A_799 = tpu.vector_load %arg8[%swap3A_797, %swap3A_798] {strides = array<i32>} : memref<4x128xi32, #tpu.memory_space<vmem>>, vector<1x16xi32>,
    %swap3A_800 = vector.shape_cast %swap3A_799 : vector<1x16xi32> to vector<16xi32>
    %swap3A_801 = vector.shape_cast %add3A_795 : vector<16xi32> to vector<1x16xi32>
    tpu.vector_store %arg8[%swap3A_797, %swap3A_798], %swap3A_801 {strides = array<i32>} : memref<4x128xi32, #tpu.memory_space<vmem>>, vector<1x16xi32>,
    %get3A_802 = arith.constant 368 : index
    %get3A_803 = tpu.vector_load %arg7[%get3A_802] {strides = array<i32>} : memref<512xi32, #tpu.memory_space<vmem>>, vector<16xi32>,
    %get3A_804 = vector.shape_cast %get3A_803 : vector<16xi32> to vector<16xi32>
    %iota3A_805 = tpu.iota {dimensions = array<i32: 0>} : vector<16xi32>
    %add3A_806 = arith.constant 112 : i32
    %add3A_807 = vector.broadcast %add3A_806 : i32 to vector<16xi32>
    %add3A_808 = arith.addi %add3A_807, %iota3A_805 : vector<16xi32>
    %mul3A_809 = arith.constant 4 : i32
    %mul3A_810 = arith.muli %add3A, %mul3A_809 : i32
    %add3A_811 = arith.constant 2 : i32
    %add3A_812 = arith.addi %mul3A_810, %add3A_811 : i32
    %shift_right_arithmetic3A_813 = arith.constant 3 : i32
    %shift_right_arithmetic3A_814 = vector.broadcast %shift_right_arithmetic3A_813 : i32 to vector<16xi32>
    %shift_right_arithmetic3A_815 = arith.shrsi %get3A_804, %shift_right_arithmetic3A_814 : vector<16xi32>
    %mul3A_816 = arith.constant 131072 : i32
    %mul3A_817 = vector.broadcast %mul3A_816 : i32 to vector<16xi32>
    %mul3A_818 = arith.muli %shift_right_arithmetic3A_815, %mul3A_817 : vector<16xi32>
    %and3A_819 = arith.constant 7 : i32
    %and3A_820 = vector.broadcast %and3A_819 : i32 to vector<16xi32>
    %and3A_821 = arith.andi %get3A_804, %and3A_820 : vector<16xi32>
    %shift_left3A_822 = arith.constant 7 : i32
    %shift_left3A_823 = vector.broadcast %shift_left3A_822 : i32 to vector<16xi32>
    %shift_left3A_824 = arith.shli %and3A_821, %shift_left3A_823 : vector<16xi32>
    %add3A_825 = arith.addi %mul3A_818, %shift_left3A_824 : vector<16xi32>
    %mul3A_826 = arith.constant 1024 : i32
    %mul3A_827 = arith.muli %add3A_812, %mul3A_826 : i32
    %add3A_828 = vector.broadcast %mul3A_827 : i32 to vector<16xi32>
    %add3A_829 = arith.addi %add3A_828, %add3A_808 : vector<16xi32>
    %add3A_830 = arith.addi %add3A_825, %add3A_829 : vector<16xi32>
    %swap3A_831 = arith.constant 2 : i32
    %swap3A_832 = arith.index_cast %swap3A_831 : i32 to index
    %swap3A_833 = arith.constant 112 : index
    %swap3A_834 = tpu.vector_load %arg8[%swap3A_832, %swap3A_833] {strides = array<i32>} : memref<4x128xi32, #tpu.memory_space<vmem>>, vector<1x16xi32>,
    %swap3A_835 = vector.shape_cast %swap3A_834 : vector<1x16xi32> to vector<16xi32>
    %swap3A_836 = vector.shape_cast %add3A_830 : vector<16xi32> to vector<1x16xi32>
    tpu.vector_store %arg8[%swap3A_832, %swap3A_833], %swap3A_836 {strides = array<i32>} : memref<4x128xi32, #tpu.memory_space<vmem>>, vector<1x16xi32>,
    %get3A_837 = arith.constant 384 : index
    %get3A_838 = tpu.vector_load %arg7[%get3A_837] {strides = array<i32>} : memref<512xi32, #tpu.memory_space<vmem>>, vector<16xi32>,
    %get3A_839 = vector.shape_cast %get3A_838 : vector<16xi32> to vector<16xi32>
    %iota3A_840 = tpu.iota {dimensions = array<i32: 0>} : vector<16xi32>
    %add3A_841 = arith.constant 0 : i32
    %add3A_842 = vector.broadcast %add3A_841 : i32 to vector<16xi32>
    %add3A_843 = arith.addi %add3A_842, %iota3A_840 : vector<16xi32>
    %mul3A_844 = arith.constant 4 : i32
    %mul3A_845 = arith.muli %add3A, %mul3A_844 : i32
    %add3A_846 = arith.constant 3 : i32
    %add3A_847 = arith.addi %mul3A_845, %add3A_846 : i32
    %shift_right_arithmetic3A_848 = arith.constant 3 : i32
    %shift_right_arithmetic3A_849 = vector.broadcast %shift_right_arithmetic3A_848 : i32 to vector<16xi32>
    %shift_right_arithmetic3A_850 = arith.shrsi %get3A_839, %shift_right_arithmetic3A_849 : vector<16xi32>
    %mul3A_851 = arith.constant 131072 : i32
    %mul3A_852 = vector.broadcast %mul3A_851 : i32 to vector<16xi32>
    %mul3A_853 = arith.muli %shift_right_arithmetic3A_850, %mul3A_852 : vector<16xi32>
    %and3A_854 = arith.constant 7 : i32
    %and3A_855 = vector.broadcast %and3A_854 : i32 to vector<16xi32>
    %and3A_856 = arith.andi %get3A_839, %and3A_855 : vector<16xi32>
    %shift_left3A_857 = arith.constant 7 : i32
    %shift_left3A_858 = vector.broadcast %shift_left3A_857 : i32 to vector<16xi32>
    %shift_left3A_859 = arith.shli %and3A_856, %shift_left3A_858 : vector<16xi32>
    %add3A_860 = arith.addi %mul3A_853, %shift_left3A_859 : vector<16xi32>
    %mul3A_861 = arith.constant 1024 : i32
    %mul3A_862 = arith.muli %add3A_847, %mul3A_861 : i32
    %add3A_863 = vector.broadcast %mul3A_862 : i32 to vector<16xi32>
    %add3A_864 = arith.addi %add3A_863, %add3A_843 : vector<16xi32>
    %add3A_865 = arith.addi %add3A_860, %add3A_864 : vector<16xi32>
    %swap3A_866 = arith.constant 3 : i32
    %swap3A_867 = arith.index_cast %swap3A_866 : i32 to index
    %swap3A_868 = arith.constant 0 : index
    %swap3A_869 = tpu.vector_load %arg8[%swap3A_867, %swap3A_868] {strides = array<i32>} : memref<4x128xi32, #tpu.memory_space<vmem>>, vector<1x16xi32>,
    %swap3A_870 = vector.shape_cast %swap3A_869 : vector<1x16xi32> to vector<16xi32>
    %swap3A_871 = vector.shape_cast %add3A_865 : vector<16xi32> to vector<1x16xi32>
    tpu.vector_store %arg8[%swap3A_867, %swap3A_868], %swap3A_871 {strides = array<i32>} : memref<4x128xi32, #tpu.memory_space<vmem>>, vector<1x16xi32>,
    %get3A_872 = arith.constant 400 : index
    %get3A_873 = tpu.vector_load %arg7[%get3A_872] {strides = array<i32>} : memref<512xi32, #tpu.memory_space<vmem>>, vector<16xi32>,
    %get3A_874 = vector.shape_cast %get3A_873 : vector<16xi32> to vector<16xi32>
    %iota3A_875 = tpu.iota {dimensions = array<i32: 0>} : vector<16xi32>
    %add3A_876 = arith.constant 16 : i32
    %add3A_877 = vector.broadcast %add3A_876 : i32 to vector<16xi32>
    %add3A_878 = arith.addi %add3A_877, %iota3A_875 : vector<16xi32>
    %mul3A_879 = arith.constant 4 : i32
    %mul3A_880 = arith.muli %add3A, %mul3A_879 : i32
    %add3A_881 = arith.constant 3 : i32
    %add3A_882 = arith.addi %mul3A_880, %add3A_881 : i32
    %shift_right_arithmetic3A_883 = arith.constant 3 : i32
    %shift_right_arithmetic3A_884 = vector.broadcast %shift_right_arithmetic3A_883 : i32 to vector<16xi32>
    %shift_right_arithmetic3A_885 = arith.shrsi %get3A_874, %shift_right_arithmetic3A_884 : vector<16xi32>
    %mul3A_886 = arith.constant 131072 : i32
    %mul3A_887 = vector.broadcast %mul3A_886 : i32 to vector<16xi32>
    %mul3A_888 = arith.muli %shift_right_arithmetic3A_885, %mul3A_887 : vector<16xi32>
    %and3A_889 = arith.constant 7 : i32
    %and3A_890 = vector.broadcast %and3A_889 : i32 to vector<16xi32>
    %and3A_891 = arith.andi %get3A_874, %and3A_890 : vector<16xi32>
    %shift_left3A_892 = arith.constant 7 : i32
    %shift_left3A_893 = vector.broadcast %shift_left3A_892 : i32 to vector<16xi32>
    %shift_left3A_894 = arith.shli %and3A_891, %shift_left3A_893 : vector<16xi32>
    %add3A_895 = arith.addi %mul3A_888, %shift_left3A_894 : vector<16xi32>
    %mul3A_896 = arith.constant 1024 : i32
    %mul3A_897 = arith.muli %add3A_882, %mul3A_896 : i32
    %add3A_898 = vector.broadcast %mul3A_897 : i32 to vector<16xi32>
    %add3A_899 = arith.addi %add3A_898, %add3A_878 : vector<16xi32>
    %add3A_900 = arith.addi %add3A_895, %add3A_899 : vector<16xi32>
    %swap3A_901 = arith.constant 3 : i32
    %swap3A_902 = arith.index_cast %swap3A_901 : i32 to index
    %swap3A_903 = arith.constant 16 : index
    %swap3A_904 = tpu.vector_load %arg8[%swap3A_902, %swap3A_903] {strides = array<i32>} : memref<4x128xi32, #tpu.memory_space<vmem>>, vector<1x16xi32>,
    %swap3A_905 = vector.shape_cast %swap3A_904 : vector<1x16xi32> to vector<16xi32>
    %swap3A_906 = vector.shape_cast %add3A_900 : vector<16xi32> to vector<1x16xi32>
    tpu.vector_store %arg8[%swap3A_902, %swap3A_903], %swap3A_906 {strides = array<i32>} : memref<4x128xi32, #tpu.memory_space<vmem>>, vector<1x16xi32>,
    %get3A_907 = arith.constant 416 : index
    %get3A_908 = tpu.vector_load %arg7[%get3A_907] {strides = array<i32>} : memref<512xi32, #tpu.memory_space<vmem>>, vector<16xi32>,
    %get3A_909 = vector.shape_cast %get3A_908 : vector<16xi32> to vector<16xi32>
    %iota3A_910 = tpu.iota {dimensions = array<i32: 0>} : vector<16xi32>
    %add3A_911 = arith.constant 32 : i32
    %add3A_912 = vector.broadcast %add3A_911 : i32 to vector<16xi32>
    %add3A_913 = arith.addi %add3A_912, %iota3A_910 : vector<16xi32>
    %mul3A_914 = arith.constant 4 : i32
    %mul3A_915 = arith.muli %add3A, %mul3A_914 : i32
    %add3A_916 = arith.constant 3 : i32
    %add3A_917 = arith.addi %mul3A_915, %add3A_916 : i32
    %shift_right_arithmetic3A_918 = arith.constant 3 : i32
    %shift_right_arithmetic3A_919 = vector.broadcast %shift_right_arithmetic3A_918 : i32 to vector<16xi32>
    %shift_right_arithmetic3A_920 = arith.shrsi %get3A_909, %shift_right_arithmetic3A_919 : vector<16xi32>
    %mul3A_921 = arith.constant 131072 : i32
    %mul3A_922 = vector.broadcast %mul3A_921 : i32 to vector<16xi32>
    %mul3A_923 = arith.muli %shift_right_arithmetic3A_920, %mul3A_922 : vector<16xi32>
    %and3A_924 = arith.constant 7 : i32
    %and3A_925 = vector.broadcast %and3A_924 : i32 to vector<16xi32>
    %and3A_926 = arith.andi %get3A_909, %and3A_925 : vector<16xi32>
    %shift_left3A_927 = arith.constant 7 : i32
    %shift_left3A_928 = vector.broadcast %shift_left3A_927 : i32 to vector<16xi32>
    %shift_left3A_929 = arith.shli %and3A_926, %shift_left3A_928 : vector<16xi32>
    %add3A_930 = arith.addi %mul3A_923, %shift_left3A_929 : vector<16xi32>
    %mul3A_931 = arith.constant 1024 : i32
    %mul3A_932 = arith.muli %add3A_917, %mul3A_931 : i32
    %add3A_933 = vector.broadcast %mul3A_932 : i32 to vector<16xi32>
    %add3A_934 = arith.addi %add3A_933, %add3A_913 : vector<16xi32>
    %add3A_935 = arith.addi %add3A_930, %add3A_934 : vector<16xi32>
    %swap3A_936 = arith.constant 3 : i32
    %swap3A_937 = arith.index_cast %swap3A_936 : i32 to index
    %swap3A_938 = arith.constant 32 : index
    %swap3A_939 = tpu.vector_load %arg8[%swap3A_937, %swap3A_938] {strides = array<i32>} : memref<4x128xi32, #tpu.memory_space<vmem>>, vector<1x16xi32>,
    %swap3A_940 = vector.shape_cast %swap3A_939 : vector<1x16xi32> to vector<16xi32>
    %swap3A_941 = vector.shape_cast %add3A_935 : vector<16xi32> to vector<1x16xi32>
    tpu.vector_store %arg8[%swap3A_937, %swap3A_938], %swap3A_941 {strides = array<i32>} : memref<4x128xi32, #tpu.memory_space<vmem>>, vector<1x16xi32>,
    %get3A_942 = arith.constant 432 : index
    %get3A_943 = tpu.vector_load %arg7[%get3A_942] {strides = array<i32>} : memref<512xi32, #tpu.memory_space<vmem>>, vector<16xi32>,
    %get3A_944 = vector.shape_cast %get3A_943 : vector<16xi32> to vector<16xi32>
    %iota3A_945 = tpu.iota {dimensions = array<i32: 0>} : vector<16xi32>
    %add3A_946 = arith.constant 48 : i32
    %add3A_947 = vector.broadcast %add3A_946 : i32 to vector<16xi32>
    %add3A_948 = arith.addi %add3A_947, %iota3A_945 : vector<16xi32>
    %mul3A_949 = arith.constant 4 : i32
    %mul3A_950 = arith.muli %add3A, %mul3A_949 : i32
    %add3A_951 = arith.constant 3 : i32
    %add3A_952 = arith.addi %mul3A_950, %add3A_951 : i32
    %shift_right_arithmetic3A_953 = arith.constant 3 : i32
    %shift_right_arithmetic3A_954 = vector.broadcast %shift_right_arithmetic3A_953 : i32 to vector<16xi32>
    %shift_right_arithmetic3A_955 = arith.shrsi %get3A_944, %shift_right_arithmetic3A_954 : vector<16xi32>
    %mul3A_956 = arith.constant 131072 : i32
    %mul3A_957 = vector.broadcast %mul3A_956 : i32 to vector<16xi32>
    %mul3A_958 = arith.muli %shift_right_arithmetic3A_955, %mul3A_957 : vector<16xi32>
    %and3A_959 = arith.constant 7 : i32
    %and3A_960 = vector.broadcast %and3A_959 : i32 to vector<16xi32>
    %and3A_961 = arith.andi %get3A_944, %and3A_960 : vector<16xi32>
    %shift_left3A_962 = arith.constant 7 : i32
    %shift_left3A_963 = vector.broadcast %shift_left3A_962 : i32 to vector<16xi32>
    %shift_left3A_964 = arith.shli %and3A_961, %shift_left3A_963 : vector<16xi32>
    %add3A_965 = arith.addi %mul3A_958, %shift_left3A_964 : vector<16xi32>
    %mul3A_966 = arith.constant 1024 : i32
    %mul3A_967 = arith.muli %add3A_952, %mul3A_966 : i32
    %add3A_968 = vector.broadcast %mul3A_967 : i32 to vector<16xi32>
    %add3A_969 = arith.addi %add3A_968, %add3A_948 : vector<16xi32>
    %add3A_970 = arith.addi %add3A_965, %add3A_969 : vector<16xi32>
    %swap3A_971 = arith.constant 3 : i32
    %swap3A_972 = arith.index_cast %swap3A_971 : i32 to index
    %swap3A_973 = arith.constant 48 : index
    %swap3A_974 = tpu.vector_load %arg8[%swap3A_972, %swap3A_973] {strides = array<i32>} : memref<4x128xi32, #tpu.memory_space<vmem>>, vector<1x16xi32>,
    %swap3A_975 = vector.shape_cast %swap3A_974 : vector<1x16xi32> to vector<16xi32>
    %swap3A_976 = vector.shape_cast %add3A_970 : vector<16xi32> to vector<1x16xi32>
    tpu.vector_store %arg8[%swap3A_972, %swap3A_973], %swap3A_976 {strides = array<i32>} : memref<4x128xi32, #tpu.memory_space<vmem>>, vector<1x16xi32>,
    %get3A_977 = arith.constant 448 : index
    %get3A_978 = tpu.vector_load %arg7[%get3A_977] {strides = array<i32>} : memref<512xi32, #tpu.memory_space<vmem>>, vector<16xi32>,
    %get3A_979 = vector.shape_cast %get3A_978 : vector<16xi32> to vector<16xi32>
    %iota3A_980 = tpu.iota {dimensions = array<i32: 0>} : vector<16xi32>
    %add3A_981 = arith.constant 64 : i32
    %add3A_982 = vector.broadcast %add3A_981 : i32 to vector<16xi32>
    %add3A_983 = arith.addi %add3A_982, %iota3A_980 : vector<16xi32>
    %mul3A_984 = arith.constant 4 : i32
    %mul3A_985 = arith.muli %add3A, %mul3A_984 : i32
    %add3A_986 = arith.constant 3 : i32
    %add3A_987 = arith.addi %mul3A_985, %add3A_986 : i32
    %shift_right_arithmetic3A_988 = arith.constant 3 : i32
    %shift_right_arithmetic3A_989 = vector.broadcast %shift_right_arithmetic3A_988 : i32 to vector<16xi32>
    %shift_right_arithmetic3A_990 = arith.shrsi %get3A_979, %shift_right_arithmetic3A_989 : vector<16xi32>
    %mul3A_991 = arith.constant 131072 : i32
    %mul3A_992 = vector.broadcast %mul3A_991 : i32 to vector<16xi32>
    %mul3A_993 = arith.muli %shift_right_arithmetic3A_990, %mul3A_992 : vector<16xi32>
    %and3A_994 = arith.constant 7 : i32
    %and3A_995 = vector.broadcast %and3A_994 : i32 to vector<16xi32>
    %and3A_996 = arith.andi %get3A_979, %and3A_995 : vector<16xi32>
    %shift_left3A_997 = arith.constant 7 : i32
    %shift_left3A_998 = vector.broadcast %shift_left3A_997 : i32 to vector<16xi32>
    %shift_left3A_999 = arith.shli %and3A_996, %shift_left3A_998 : vector<16xi32>
    %add3A_1000 = arith.addi %mul3A_993, %shift_left3A_999 : vector<16xi32>
    %mul3A_1001 = arith.constant 1024 : i32
    %mul3A_1002 = arith.muli %add3A_987, %mul3A_1001 : i32
    %add3A_1003 = vector.broadcast %mul3A_1002 : i32 to vector<16xi32>
    %add3A_1004 = arith.addi %add3A_1003, %add3A_983 : vector<16xi32>
    %add3A_1005 = arith.addi %add3A_1000, %add3A_1004 : vector<16xi32>
    %swap3A_1006 = arith.constant 3 : i32
    %swap3A_1007 = arith.index_cast %swap3A_1006 : i32 to index
    %swap3A_1008 = arith.constant 64 : index
    %swap3A_1009 = tpu.vector_load %arg8[%swap3A_1007, %swap3A_1008] {strides = array<i32>} : memref<4x128xi32, #tpu.memory_space<vmem>>, vector<1x16xi32>,
    %swap3A_1010 = vector.shape_cast %swap3A_1009 : vector<1x16xi32> to vector<16xi32>
    %swap3A_1011 = vector.shape_cast %add3A_1005 : vector<16xi32> to vector<1x16xi32>
    tpu.vector_store %arg8[%swap3A_1007, %swap3A_1008], %swap3A_1011 {strides = array<i32>} : memref<4x128xi32, #tpu.memory_space<vmem>>, vector<1x16xi32>,
    %get3A_1012 = arith.constant 464 : index
    %get3A_1013 = tpu.vector_load %arg7[%get3A_1012] {strides = array<i32>} : memref<512xi32, #tpu.memory_space<vmem>>, vector<16xi32>,
    %get3A_1014 = vector.shape_cast %get3A_1013 : vector<16xi32> to vector<16xi32>
    %iota3A_1015 = tpu.iota {dimensions = array<i32: 0>} : vector<16xi32>
    %add3A_1016 = arith.constant 80 : i32
    %add3A_1017 = vector.broadcast %add3A_1016 : i32 to vector<16xi32>
    %add3A_1018 = arith.addi %add3A_1017, %iota3A_1015 : vector<16xi32>
    %mul3A_1019 = arith.constant 4 : i32
    %mul3A_1020 = arith.muli %add3A, %mul3A_1019 : i32
    %add3A_1021 = arith.constant 3 : i32
    %add3A_1022 = arith.addi %mul3A_1020, %add3A_1021 : i32
    %shift_right_arithmetic3A_1023 = arith.constant 3 : i32
    %shift_right_arithmetic3A_1024 = vector.broadcast %shift_right_arithmetic3A_1023 : i32 to vector<16xi32>
    %shift_right_arithmetic3A_1025 = arith.shrsi %get3A_1014, %shift_right_arithmetic3A_1024 : vector<16xi32>
    %mul3A_1026 = arith.constant 131072 : i32
    %mul3A_1027 = vector.broadcast %mul3A_1026 : i32 to vector<16xi32>
    %mul3A_1028 = arith.muli %shift_right_arithmetic3A_1025, %mul3A_1027 : vector<16xi32>
    %and3A_1029 = arith.constant 7 : i32
    %and3A_1030 = vector.broadcast %and3A_1029 : i32 to vector<16xi32>
    %and3A_1031 = arith.andi %get3A_1014, %and3A_1030 : vector<16xi32>
    %shift_left3A_1032 = arith.constant 7 : i32
    %shift_left3A_1033 = vector.broadcast %shift_left3A_1032 : i32 to vector<16xi32>
    %shift_left3A_1034 = arith.shli %and3A_1031, %shift_left3A_1033 : vector<16xi32>
    %add3A_1035 = arith.addi %mul3A_1028, %shift_left3A_1034 : vector<16xi32>
    %mul3A_1036 = arith.constant 1024 : i32
    %mul3A_1037 = arith.muli %add3A_1022, %mul3A_1036 : i32
    %add3A_1038 = vector.broadcast %mul3A_1037 : i32 to vector<16xi32>
    %add3A_1039 = arith.addi %add3A_1038, %add3A_1018 : vector<16xi32>
    %add3A_1040 = arith.addi %add3A_1035, %add3A_1039 : vector<16xi32>
    %swap3A_1041 = arith.constant 3 : i32
    %swap3A_1042 = arith.index_cast %swap3A_1041 : i32 to index
    %swap3A_1043 = arith.constant 80 : index
    %swap3A_1044 = tpu.vector_load %arg8[%swap3A_1042, %swap3A_1043] {strides = array<i32>} : memref<4x128xi32, #tpu.memory_space<vmem>>, vector<1x16xi32>,
    %swap3A_1045 = vector.shape_cast %swap3A_1044 : vector<1x16xi32> to vector<16xi32>
    %swap3A_1046 = vector.shape_cast %add3A_1040 : vector<16xi32> to vector<1x16xi32>
    tpu.vector_store %arg8[%swap3A_1042, %swap3A_1043], %swap3A_1046 {strides = array<i32>} : memref<4x128xi32, #tpu.memory_space<vmem>>, vector<1x16xi32>,
    %get3A_1047 = arith.constant 480 : index
    %get3A_1048 = tpu.vector_load %arg7[%get3A_1047] {strides = array<i32>} : memref<512xi32, #tpu.memory_space<vmem>>, vector<16xi32>,
    %get3A_1049 = vector.shape_cast %get3A_1048 : vector<16xi32> to vector<16xi32>
    %iota3A_1050 = tpu.iota {dimensions = array<i32: 0>} : vector<16xi32>
    %add3A_1051 = arith.constant 96 : i32
    %add3A_1052 = vector.broadcast %add3A_1051 : i32 to vector<16xi32>
    %add3A_1053 = arith.addi %add3A_1052, %iota3A_1050 : vector<16xi32>
    %mul3A_1054 = arith.constant 4 : i32
    %mul3A_1055 = arith.muli %add3A, %mul3A_1054 : i32
    %add3A_1056 = arith.constant 3 : i32
    %add3A_1057 = arith.addi %mul3A_1055, %add3A_1056 : i32
    %shift_right_arithmetic3A_1058 = arith.constant 3 : i32
    %shift_right_arithmetic3A_1059 = vector.broadcast %shift_right_arithmetic3A_1058 : i32 to vector<16xi32>
    %shift_right_arithmetic3A_1060 = arith.shrsi %get3A_1049, %shift_right_arithmetic3A_1059 : vector<16xi32>
    %mul3A_1061 = arith.constant 131072 : i32
    %mul3A_1062 = vector.broadcast %mul3A_1061 : i32 to vector<16xi32>
    %mul3A_1063 = arith.muli %shift_right_arithmetic3A_1060, %mul3A_1062 : vector<16xi32>
    %and3A_1064 = arith.constant 7 : i32
    %and3A_1065 = vector.broadcast %and3A_1064 : i32 to vector<16xi32>
    %and3A_1066 = arith.andi %get3A_1049, %and3A_1065 : vector<16xi32>
    %shift_left3A_1067 = arith.constant 7 : i32
    %shift_left3A_1068 = vector.broadcast %shift_left3A_1067 : i32 to vector<16xi32>
    %shift_left3A_1069 = arith.shli %and3A_1066, %shift_left3A_1068 : vector<16xi32>
    %add3A_1070 = arith.addi %mul3A_1063, %shift_left3A_1069 : vector<16xi32>
    %mul3A_1071 = arith.constant 1024 : i32
    %mul3A_1072 = arith.muli %add3A_1057, %mul3A_1071 : i32
    %add3A_1073 = vector.broadcast %mul3A_1072 : i32 to vector<16xi32>
    %add3A_1074 = arith.addi %add3A_1073, %add3A_1053 : vector<16xi32>
    %add3A_1075 = arith.addi %add3A_1070, %add3A_1074 : vector<16xi32>
    %swap3A_1076 = arith.constant 3 : i32
    %swap3A_1077 = arith.index_cast %swap3A_1076 : i32 to index
    %swap3A_1078 = arith.constant 96 : index
    %swap3A_1079 = tpu.vector_load %arg8[%swap3A_1077, %swap3A_1078] {strides = array<i32>} : memref<4x128xi32, #tpu.memory_space<vmem>>, vector<1x16xi32>,
    %swap3A_1080 = vector.shape_cast %swap3A_1079 : vector<1x16xi32> to vector<16xi32>
    %swap3A_1081 = vector.shape_cast %add3A_1075 : vector<16xi32> to vector<1x16xi32>
    tpu.vector_store %arg8[%swap3A_1077, %swap3A_1078], %swap3A_1081 {strides = array<i32>} : memref<4x128xi32, #tpu.memory_space<vmem>>, vector<1x16xi32>,
    %get3A_1082 = arith.constant 496 : index
    %get3A_1083 = tpu.vector_load %arg7[%get3A_1082] {strides = array<i32>} : memref<512xi32, #tpu.memory_space<vmem>>, vector<16xi32>,
    %get3A_1084 = vector.shape_cast %get3A_1083 : vector<16xi32> to vector<16xi32>
    %iota3A_1085 = tpu.iota {dimensions = array<i32: 0>} : vector<16xi32>
    %add3A_1086 = arith.constant 112 : i32
    %add3A_1087 = vector.broadcast %add3A_1086 : i32 to vector<16xi32>
    %add3A_1088 = arith.addi %add3A_1087, %iota3A_1085 : vector<16xi32>
    %mul3A_1089 = arith.constant 4 : i32
    %mul3A_1090 = arith.muli %add3A, %mul3A_1089 : i32
    %add3A_1091 = arith.constant 3 : i32
    %add3A_1092 = arith.addi %mul3A_1090, %add3A_1091 : i32
    %shift_right_arithmetic3A_1093 = arith.constant 3 : i32
    %shift_right_arithmetic3A_1094 = vector.broadcast %shift_right_arithmetic3A_1093 : i32 to vector<16xi32>
    %shift_right_arithmetic3A_1095 = arith.shrsi %get3A_1084, %shift_right_arithmetic3A_1094 : vector<16xi32>
    %mul3A_1096 = arith.constant 131072 : i32
    %mul3A_1097 = vector.broadcast %mul3A_1096 : i32 to vector<16xi32>
    %mul3A_1098 = arith.muli %shift_right_arithmetic3A_1095, %mul3A_1097 : vector<16xi32>
    %and3A_1099 = arith.constant 7 : i32
    %and3A_1100 = vector.broadcast %and3A_1099 : i32 to vector<16xi32>
    %and3A_1101 = arith.andi %get3A_1084, %and3A_1100 : vector<16xi32>
    %shift_left3A_1102 = arith.constant 7 : i32
    %shift_left3A_1103 = vector.broadcast %shift_left3A_1102 : i32 to vector<16xi32>
    %shift_left3A_1104 = arith.shli %and3A_1101, %shift_left3A_1103 : vector<16xi32>
    %add3A_1105 = arith.addi %mul3A_1098, %shift_left3A_1104 : vector<16xi32>
    %mul3A_1106 = arith.constant 1024 : i32
    %mul3A_1107 = arith.muli %add3A_1092, %mul3A_1106 : i32
    %add3A_1108 = vector.broadcast %mul3A_1107 : i32 to vector<16xi32>
    %add3A_1109 = arith.addi %add3A_1108, %add3A_1088 : vector<16xi32>
    %add3A_1110 = arith.addi %add3A_1105, %add3A_1109 : vector<16xi32>
    %swap3A_1111 = arith.constant 3 : i32
    %swap3A_1112 = arith.index_cast %swap3A_1111 : i32 to index
    %swap3A_1113 = arith.constant 112 : index
    %swap3A_1114 = tpu.vector_load %arg8[%swap3A_1112, %swap3A_1113] {strides = array<i32>} : memref<4x128xi32, #tpu.memory_space<vmem>>, vector<1x16xi32>,
    %swap3A_1115 = vector.shape_cast %swap3A_1114 : vector<1x16xi32> to vector<16xi32>
    %swap3A_1116 = vector.shape_cast %add3A_1110 : vector<16xi32> to vector<1x16xi32>
    tpu.vector_store %arg8[%swap3A_1112, %swap3A_1113], %swap3A_1116 {strides = array<i32>} : memref<4x128xi32, #tpu.memory_space<vmem>>, vector<1x16xi32>,
    %dma_start3A = arith.constant 0 : i32
    %dma_start3A_1117 = arith.constant 0 : i32
    %dma_start3A_1118 = tpu.memref_slice %arg9[%dma_start3A_1117] : memref<512xf32, #tpu.memory_space<vmem>> -> memref<128xf32, #tpu.memory_space<vmem>>
    %dma_start3A_1119 = arith.constant 0 : i32
    %dma_start3A_1120 = tpu.memref_slice %arg8[%dma_start3A, %dma_start3A_1119] : memref<4x128xi32, #tpu.memory_space<vmem>> -> memref<1x128xi32, #tpu.memory_space<vmem>>
    %dma_start3A_1121 = tpu.memref_squeeze %dma_start3A_1120 : memref<1x128xi32, #tpu.memory_space<vmem>> -> memref<128xi32, #tpu.memory_space<vmem>>
    %dma_start3A_1122 = arith.constant 0 : i32
    %dma_start3A_1123 = tpu.memref_slice %arg3[%dma_start3A_1122] : memref<16384000xf32, #tpu.memory_space<hbm>> -> memref<16384000xf32, #tpu.memory_space<hbm>>
    tpu.enqueue_indirect_dma source(%dma_start3A_1123 : memref<16384000xf32, #tpu.memory_space<hbm>>) target(%dma_start3A_1118 : memref<128xf32, #tpu.memory_space<vmem>>) offsets(%dma_start3A_1121 : memref<128xi32, #tpu.memory_space<vmem>>) semaphore(%arg11 : memref<!tpu.dma_semaphore, #tpu.memory_space<semaphore_mem>>)
    %dma_start3A_1124 = arith.constant 0 : i32
    %dma_start3A_1125 = arith.constant 0 : i32
    %dma_start3A_1126 = tpu.memref_slice %arg10[%dma_start3A_1125] : memref<512xf32, #tpu.memory_space<vmem>> -> memref<128xf32, #tpu.memory_space<vmem>>
    %dma_start3A_1127 = arith.constant 0 : i32
    %dma_start3A_1128 = tpu.memref_slice %arg8[%dma_start3A_1124, %dma_start3A_1127] : memref<4x128xi32, #tpu.memory_space<vmem>> -> memref<1x128xi32, #tpu.memory_space<vmem>>
    %dma_start3A_1129 = tpu.memref_squeeze %dma_start3A_1128 : memref<1x128xi32, #tpu.memory_space<vmem>> -> memref<128xi32, #tpu.memory_space<vmem>>
    %dma_start3A_1130 = arith.constant 0 : i32
    %dma_start3A_1131 = tpu.memref_slice %arg4[%dma_start3A_1130] : memref<16384000xf32, #tpu.memory_space<hbm>> -> memref<16384000xf32, #tpu.memory_space<hbm>>
    tpu.enqueue_indirect_dma source(%dma_start3A_1131 : memref<16384000xf32, #tpu.memory_space<hbm>>) target(%dma_start3A_1126 : memref<128xf32, #tpu.memory_space<vmem>>) offsets(%dma_start3A_1129 : memref<128xi32, #tpu.memory_space<vmem>>) semaphore(%arg11 : memref<!tpu.dma_semaphore, #tpu.memory_space<semaphore_mem>>)
    %dma_start3A_1132 = arith.constant 1 : i32
    %dma_start3A_1133 = arith.constant 128 : i32
    %dma_start3A_1134 = tpu.memref_slice %arg9[%dma_start3A_1133] : memref<512xf32, #tpu.memory_space<vmem>> -> memref<128xf32, #tpu.memory_space<vmem>>
    %dma_start3A_1135 = arith.constant 0 : i32
    %dma_start3A_1136 = tpu.memref_slice %arg8[%dma_start3A_1132, %dma_start3A_1135] : memref<4x128xi32, #tpu.memory_space<vmem>> -> memref<1x128xi32, #tpu.memory_space<vmem>>
    %dma_start3A_1137 = tpu.memref_squeeze %dma_start3A_1136 : memref<1x128xi32, #tpu.memory_space<vmem>> -> memref<128xi32, #tpu.memory_space<vmem>>
    %dma_start3A_1138 = arith.constant 0 : i32
    %dma_start3A_1139 = tpu.memref_slice %arg3[%dma_start3A_1138] : memref<16384000xf32, #tpu.memory_space<hbm>> -> memref<16384000xf32, #tpu.memory_space<hbm>>
    tpu.enqueue_indirect_dma source(%dma_start3A_1139 : memref<16384000xf32, #tpu.memory_space<hbm>>) target(%dma_start3A_1134 : memref<128xf32, #tpu.memory_space<vmem>>) offsets(%dma_start3A_1137 : memref<128xi32, #tpu.memory_space<vmem>>) semaphore(%arg11 : memref<!tpu.dma_semaphore, #tpu.memory_space<semaphore_mem>>)
    %dma_start3A_1140 = arith.constant 1 : i32
    %dma_start3A_1141 = arith.constant 128 : i32
    %dma_start3A_1142 = tpu.memref_slice %arg10[%dma_start3A_1141] : memref<512xf32, #tpu.memory_space<vmem>> -> memref<128xf32, #tpu.memory_space<vmem>>
    %dma_start3A_1143 = arith.constant 0 : i32
    %dma_start3A_1144 = tpu.memref_slice %arg8[%dma_start3A_1140, %dma_start3A_1143] : memref<4x128xi32, #tpu.memory_space<vmem>> -> memref<1x128xi32, #tpu.memory_space<vmem>>
    %dma_start3A_1145 = tpu.memref_squeeze %dma_start3A_1144 : memref<1x128xi32, #tpu.memory_space<vmem>> -> memref<128xi32, #tpu.memory_space<vmem>>
    %dma_start3A_1146 = arith.constant 0 : i32
    %dma_start3A_1147 = tpu.memref_slice %arg4[%dma_start3A_1146] : memref<16384000xf32, #tpu.memory_space<hbm>> -> memref<16384000xf32, #tpu.memory_space<hbm>>
    tpu.enqueue_indirect_dma source(%dma_start3A_1147 : memref<16384000xf32, #tpu.memory_space<hbm>>) target(%dma_start3A_1142 : memref<128xf32, #tpu.memory_space<vmem>>) offsets(%dma_start3A_1145 : memref<128xi32, #tpu.memory_space<vmem>>) semaphore(%arg11 : memref<!tpu.dma_semaphore, #tpu.memory_space<semaphore_mem>>)
    %dma_start3A_1148 = arith.constant 2 : i32
    %dma_start3A_1149 = arith.constant 256 : i32
    %dma_start3A_1150 = tpu.memref_slice %arg9[%dma_start3A_1149] : memref<512xf32, #tpu.memory_space<vmem>> -> memref<128xf32, #tpu.memory_space<vmem>>
    %dma_start3A_1151 = arith.constant 0 : i32
    %dma_start3A_1152 = tpu.memref_slice %arg8[%dma_start3A_1148, %dma_start3A_1151] : memref<4x128xi32, #tpu.memory_space<vmem>> -> memref<1x128xi32, #tpu.memory_space<vmem>>
    %dma_start3A_1153 = tpu.memref_squeeze %dma_start3A_1152 : memref<1x128xi32, #tpu.memory_space<vmem>> -> memref<128xi32, #tpu.memory_space<vmem>>
    %dma_start3A_1154 = arith.constant 0 : i32
    %dma_start3A_1155 = tpu.memref_slice %arg3[%dma_start3A_1154] : memref<16384000xf32, #tpu.memory_space<hbm>> -> memref<16384000xf32, #tpu.memory_space<hbm>>
    tpu.enqueue_indirect_dma source(%dma_start3A_1155 : memref<16384000xf32, #tpu.memory_space<hbm>>) target(%dma_start3A_1150 : memref<128xf32, #tpu.memory_space<vmem>>) offsets(%dma_start3A_1153 : memref<128xi32, #tpu.memory_space<vmem>>) semaphore(%arg11 : memref<!tpu.dma_semaphore, #tpu.memory_space<semaphore_mem>>)
    %dma_start3A_1156 = arith.constant 2 : i32
    %dma_start3A_1157 = arith.constant 256 : i32
    %dma_start3A_1158 = tpu.memref_slice %arg10[%dma_start3A_1157] : memref<512xf32, #tpu.memory_space<vmem>> -> memref<128xf32, #tpu.memory_space<vmem>>
    %dma_start3A_1159 = arith.constant 0 : i32
    %dma_start3A_1160 = tpu.memref_slice %arg8[%dma_start3A_1156, %dma_start3A_1159] : memref<4x128xi32, #tpu.memory_space<vmem>> -> memref<1x128xi32, #tpu.memory_space<vmem>>
    %dma_start3A_1161 = tpu.memref_squeeze %dma_start3A_1160 : memref<1x128xi32, #tpu.memory_space<vmem>> -> memref<128xi32, #tpu.memory_space<vmem>>
    %dma_start3A_1162 = arith.constant 0 : i32
    %dma_start3A_1163 = tpu.memref_slice %arg4[%dma_start3A_1162] : memref<16384000xf32, #tpu.memory_space<hbm>> -> memref<16384000xf32, #tpu.memory_space<hbm>>
    tpu.enqueue_indirect_dma source(%dma_start3A_1163 : memref<16384000xf32, #tpu.memory_space<hbm>>) target(%dma_start3A_1158 : memref<128xf32, #tpu.memory_space<vmem>>) offsets(%dma_start3A_1161 : memref<128xi32, #tpu.memory_space<vmem>>) semaphore(%arg11 : memref<!tpu.dma_semaphore, #tpu.memory_space<semaphore_mem>>)
    %dma_start3A_1164 = arith.constant 3 : i32
    %dma_start3A_1165 = arith.constant 384 : i32
    %dma_start3A_1166 = tpu.memref_slice %arg9[%dma_start3A_1165] : memref<512xf32, #tpu.memory_space<vmem>> -> memref<128xf32, #tpu.memory_space<vmem>>
    %dma_start3A_1167 = arith.constant 0 : i32
    %dma_start3A_1168 = tpu.memref_slice %arg8[%dma_start3A_1164, %dma_start3A_1167] : memref<4x128xi32, #tpu.memory_space<vmem>> -> memref<1x128xi32, #tpu.memory_space<vmem>>
    %dma_start3A_1169 = tpu.memref_squeeze %dma_start3A_1168 : memref<1x128xi32, #tpu.memory_space<vmem>> -> memref<128xi32, #tpu.memory_space<vmem>>
    %dma_start3A_1170 = arith.constant 0 : i32
    %dma_start3A_1171 = tpu.memref_slice %arg3[%dma_start3A_1170] : memref<16384000xf32, #tpu.memory_space<hbm>> -> memref<16384000xf32, #tpu.memory_space<hbm>>
    tpu.enqueue_indirect_dma source(%dma_start3A_1171 : memref<16384000xf32, #tpu.memory_space<hbm>>) target(%dma_start3A_1166 : memref<128xf32, #tpu.memory_space<vmem>>) offsets(%dma_start3A_1169 : memref<128xi32, #tpu.memory_space<vmem>>) semaphore(%arg11 : memref<!tpu.dma_semaphore, #tpu.memory_space<semaphore_mem>>)
    %dma_start3A_1172 = arith.constant 3 : i32
    %dma_start3A_1173 = arith.constant 384 : i32
    %dma_start3A_1174 = tpu.memref_slice %arg10[%dma_start3A_1173] : memref<512xf32, #tpu.memory_space<vmem>> -> memref<128xf32, #tpu.memory_space<vmem>>
    %dma_start3A_1175 = arith.constant 0 : i32
    %dma_start3A_1176 = tpu.memref_slice %arg8[%dma_start3A_1172, %dma_start3A_1175] : memref<4x128xi32, #tpu.memory_space<vmem>> -> memref<1x128xi32, #tpu.memory_space<vmem>>
    %dma_start3A_1177 = tpu.memref_squeeze %dma_start3A_1176 : memref<1x128xi32, #tpu.memory_space<vmem>> -> memref<128xi32, #tpu.memory_space<vmem>>
    %dma_start3A_1178 = arith.constant 0 : i32
    %dma_start3A_1179 = tpu.memref_slice %arg4[%dma_start3A_1178] : memref<16384000xf32, #tpu.memory_space<hbm>> -> memref<16384000xf32, #tpu.memory_space<hbm>>
    tpu.enqueue_indirect_dma source(%dma_start3A_1179 : memref<16384000xf32, #tpu.memory_space<hbm>>) target(%dma_start3A_1174 : memref<128xf32, #tpu.memory_space<vmem>>) offsets(%dma_start3A_1177 : memref<128xi32, #tpu.memory_space<vmem>>) semaphore(%arg11 : memref<!tpu.dma_semaphore, #tpu.memory_space<semaphore_mem>>)
    %dma_wait3A = arith.constant 0 : i32
    %dma_wait3A_1180 = arith.constant 0 : i32
    %dma_wait3A_1181 = tpu.memref_slice %arg9[%dma_wait3A_1180] : memref<512xf32, #tpu.memory_space<vmem>> -> memref<128xf32, #tpu.memory_space<vmem>>
    %dma_wait3A_1182 = arith.constant 0 : i32
    %dma_wait3A_1183 = tpu.memref_slice %arg8[%dma_wait3A, %dma_wait3A_1182] : memref<4x128xi32, #tpu.memory_space<vmem>> -> memref<1x128xi32, #tpu.memory_space<vmem>>
    %dma_wait3A_1184 = tpu.memref_squeeze %dma_wait3A_1183 : memref<1x128xi32, #tpu.memory_space<vmem>> -> memref<128xi32, #tpu.memory_space<vmem>>
    %dma_wait3A_1185 = arith.constant 0 : i32
    %dma_wait3A_1186 = tpu.memref_slice %arg3[%dma_wait3A_1185] : memref<16384000xf32, #tpu.memory_space<hbm>> -> memref<16384000xf32, #tpu.memory_space<hbm>>
    tpu.wait_indirect_dma semaphore(%arg11 : memref<!tpu.dma_semaphore, #tpu.memory_space<semaphore_mem>>) src(%dma_wait3A_1186 : memref<16384000xf32, #tpu.memory_space<hbm>>) dst(%dma_wait3A_1181 : memref<128xf32, #tpu.memory_space<vmem>>)
    %dma_wait3A_1187 = arith.constant 0 : i32
    %dma_wait3A_1188 = arith.constant 0 : i32
    %dma_wait3A_1189 = tpu.memref_slice %arg10[%dma_wait3A_1188] : memref<512xf32, #tpu.memory_space<vmem>> -> memref<128xf32, #tpu.memory_space<vmem>>
    %dma_wait3A_1190 = arith.constant 0 : i32
    %dma_wait3A_1191 = tpu.memref_slice %arg8[%dma_wait3A_1187, %dma_wait3A_1190] : memref<4x128xi32, #tpu.memory_space<vmem>> -> memref<1x128xi32, #tpu.memory_space<vmem>>
    %dma_wait3A_1192 = tpu.memref_squeeze %dma_wait3A_1191 : memref<1x128xi32, #tpu.memory_space<vmem>> -> memref<128xi32, #tpu.memory_space<vmem>>
    %dma_wait3A_1193 = arith.constant 0 : i32
    %dma_wait3A_1194 = tpu.memref_slice %arg4[%dma_wait3A_1193] : memref<16384000xf32, #tpu.memory_space<hbm>> -> memref<16384000xf32, #tpu.memory_space<hbm>>
    tpu.wait_indirect_dma semaphore(%arg11 : memref<!tpu.dma_semaphore, #tpu.memory_space<semaphore_mem>>) src(%dma_wait3A_1194 : memref<16384000xf32, #tpu.memory_space<hbm>>) dst(%dma_wait3A_1189 : memref<128xf32, #tpu.memory_space<vmem>>)
    %dma_wait3A_1195 = arith.constant 1 : i32
    %dma_wait3A_1196 = arith.constant 128 : i32
    %dma_wait3A_1197 = tpu.memref_slice %arg9[%dma_wait3A_1196] : memref<512xf32, #tpu.memory_space<vmem>> -> memref<128xf32, #tpu.memory_space<vmem>>
    %dma_wait3A_1198 = arith.constant 0 : i32
    %dma_wait3A_1199 = tpu.memref_slice %arg8[%dma_wait3A_1195, %dma_wait3A_1198] : memref<4x128xi32, #tpu.memory_space<vmem>> -> memref<1x128xi32, #tpu.memory_space<vmem>>
    %dma_wait3A_1200 = tpu.memref_squeeze %dma_wait3A_1199 : memref<1x128xi32, #tpu.memory_space<vmem>> -> memref<128xi32, #tpu.memory_space<vmem>>
    %dma_wait3A_1201 = arith.constant 0 : i32
    %dma_wait3A_1202 = tpu.memref_slice %arg3[%dma_wait3A_1201] : memref<16384000xf32, #tpu.memory_space<hbm>> -> memref<16384000xf32, #tpu.memory_space<hbm>>
    tpu.wait_indirect_dma semaphore(%arg11 : memref<!tpu.dma_semaphore, #tpu.memory_space<semaphore_mem>>) src(%dma_wait3A_1202 : memref<16384000xf32, #tpu.memory_space<hbm>>) dst(%dma_wait3A_1197 : memref<128xf32, #tpu.memory_space<vmem>>)
    %dma_wait3A_1203 = arith.constant 1 : i32
    %dma_wait3A_1204 = arith.constant 128 : i32
    %dma_wait3A_1205 = tpu.memref_slice %arg10[%dma_wait3A_1204] : memref<512xf32, #tpu.memory_space<vmem>> -> memref<128xf32, #tpu.memory_space<vmem>>
    %dma_wait3A_1206 = arith.constant 0 : i32
    %dma_wait3A_1207 = tpu.memref_slice %arg8[%dma_wait3A_1203, %dma_wait3A_1206] : memref<4x128xi32, #tpu.memory_space<vmem>> -> memref<1x128xi32, #tpu.memory_space<vmem>>
    %dma_wait3A_1208 = tpu.memref_squeeze %dma_wait3A_1207 : memref<1x128xi32, #tpu.memory_space<vmem>> -> memref<128xi32, #tpu.memory_space<vmem>>
    %dma_wait3A_1209 = arith.constant 0 : i32
    %dma_wait3A_1210 = tpu.memref_slice %arg4[%dma_wait3A_1209] : memref<16384000xf32, #tpu.memory_space<hbm>> -> memref<16384000xf32, #tpu.memory_space<hbm>>
    tpu.wait_indirect_dma semaphore(%arg11 : memref<!tpu.dma_semaphore, #tpu.memory_space<semaphore_mem>>) src(%dma_wait3A_1210 : memref<16384000xf32, #tpu.memory_space<hbm>>) dst(%dma_wait3A_1205 : memref<128xf32, #tpu.memory_space<vmem>>)
    %dma_wait3A_1211 = arith.constant 2 : i32
    %dma_wait3A_1212 = arith.constant 256 : i32
    %dma_wait3A_1213 = tpu.memref_slice %arg9[%dma_wait3A_1212] : memref<512xf32, #tpu.memory_space<vmem>> -> memref<128xf32, #tpu.memory_space<vmem>>
    %dma_wait3A_1214 = arith.constant 0 : i32
    %dma_wait3A_1215 = tpu.memref_slice %arg8[%dma_wait3A_1211, %dma_wait3A_1214] : memref<4x128xi32, #tpu.memory_space<vmem>> -> memref<1x128xi32, #tpu.memory_space<vmem>>
    %dma_wait3A_1216 = tpu.memref_squeeze %dma_wait3A_1215 : memref<1x128xi32, #tpu.memory_space<vmem>> -> memref<128xi32, #tpu.memory_space<vmem>>
    %dma_wait3A_1217 = arith.constant 0 : i32
    %dma_wait3A_1218 = tpu.memref_slice %arg3[%dma_wait3A_1217] : memref<16384000xf32, #tpu.memory_space<hbm>> -> memref<16384000xf32, #tpu.memory_space<hbm>>
    tpu.wait_indirect_dma semaphore(%arg11 : memref<!tpu.dma_semaphore, #tpu.memory_space<semaphore_mem>>) src(%dma_wait3A_1218 : memref<16384000xf32, #tpu.memory_space<hbm>>) dst(%dma_wait3A_1213 : memref<128xf32, #tpu.memory_space<vmem>>)
    %dma_wait3A_1219 = arith.constant 2 : i32
    %dma_wait3A_1220 = arith.constant 256 : i32
    %dma_wait3A_1221 = tpu.memref_slice %arg10[%dma_wait3A_1220] : memref<512xf32, #tpu.memory_space<vmem>> -> memref<128xf32, #tpu.memory_space<vmem>>
    %dma_wait3A_1222 = arith.constant 0 : i32
    %dma_wait3A_1223 = tpu.memref_slice %arg8[%dma_wait3A_1219, %dma_wait3A_1222] : memref<4x128xi32, #tpu.memory_space<vmem>> -> memref<1x128xi32, #tpu.memory_space<vmem>>
    %dma_wait3A_1224 = tpu.memref_squeeze %dma_wait3A_1223 : memref<1x128xi32, #tpu.memory_space<vmem>> -> memref<128xi32, #tpu.memory_space<vmem>>
    %dma_wait3A_1225 = arith.constant 0 : i32
    %dma_wait3A_1226 = tpu.memref_slice %arg4[%dma_wait3A_1225] : memref<16384000xf32, #tpu.memory_space<hbm>> -> memref<16384000xf32, #tpu.memory_space<hbm>>
    tpu.wait_indirect_dma semaphore(%arg11 : memref<!tpu.dma_semaphore, #tpu.memory_space<semaphore_mem>>) src(%dma_wait3A_1226 : memref<16384000xf32, #tpu.memory_space<hbm>>) dst(%dma_wait3A_1221 : memref<128xf32, #tpu.memory_space<vmem>>)
    %dma_wait3A_1227 = arith.constant 3 : i32
    %dma_wait3A_1228 = arith.constant 384 : i32
    %dma_wait3A_1229 = tpu.memref_slice %arg9[%dma_wait3A_1228] : memref<512xf32, #tpu.memory_space<vmem>> -> memref<128xf32, #tpu.memory_space<vmem>>
    %dma_wait3A_1230 = arith.constant 0 : i32
    %dma_wait3A_1231 = tpu.memref_slice %arg8[%dma_wait3A_1227, %dma_wait3A_1230] : memref<4x128xi32, #tpu.memory_space<vmem>> -> memref<1x128xi32, #tpu.memory_space<vmem>>
    %dma_wait3A_1232 = tpu.memref_squeeze %dma_wait3A_1231 : memref<1x128xi32, #tpu.memory_space<vmem>> -> memref<128xi32, #tpu.memory_space<vmem>>
    %dma_wait3A_1233 = arith.constant 0 : i32
    %dma_wait3A_1234 = tpu.memref_slice %arg3[%dma_wait3A_1233] : memref<16384000xf32, #tpu.memory_space<hbm>> -> memref<16384000xf32, #tpu.memory_space<hbm>>
    tpu.wait_indirect_dma semaphore(%arg11 : memref<!tpu.dma_semaphore, #tpu.memory_space<semaphore_mem>>) src(%dma_wait3A_1234 : memref<16384000xf32, #tpu.memory_space<hbm>>) dst(%dma_wait3A_1229 : memref<128xf32, #tpu.memory_space<vmem>>)
    %dma_wait3A_1235 = arith.constant 3 : i32
    %dma_wait3A_1236 = arith.constant 384 : i32
    %dma_wait3A_1237 = tpu.memref_slice %arg10[%dma_wait3A_1236] : memref<512xf32, #tpu.memory_space<vmem>> -> memref<128xf32, #tpu.memory_space<vmem>>
    %dma_wait3A_1238 = arith.constant 0 : i32
    %dma_wait3A_1239 = tpu.memref_slice %arg8[%dma_wait3A_1235, %dma_wait3A_1238] : memref<4x128xi32, #tpu.memory_space<vmem>> -> memref<1x128xi32, #tpu.memory_space<vmem>>
    %dma_wait3A_1240 = tpu.memref_squeeze %dma_wait3A_1239 : memref<1x128xi32, #tpu.memory_space<vmem>> -> memref<128xi32, #tpu.memory_space<vmem>>
    %dma_wait3A_1241 = arith.constant 0 : i32
    %dma_wait3A_1242 = tpu.memref_slice %arg4[%dma_wait3A_1241] : memref<16384000xf32, #tpu.memory_space<hbm>> -> memref<16384000xf32, #tpu.memory_space<hbm>>
    tpu.wait_indirect_dma semaphore(%arg11 : memref<!tpu.dma_semaphore, #tpu.memory_space<semaphore_mem>>) src(%dma_wait3A_1242 : memref<16384000xf32, #tpu.memory_space<hbm>>) dst(%dma_wait3A_1237 : memref<128xf32, #tpu.memory_space<vmem>>)
    %dma_start3A_1243 = tpu.memref_slice %arg5[%mul3A_2] : memref<16384xf32, #tpu.memory_space<hbm>> -> memref<512xf32, #tpu.memory_space<hbm>>
    %dma_start3A_1244 = tpu.memref_slice %arg5[%mul3A_2] : memref<16384xf32, #tpu.memory_space<hbm>> -> memref<512xf32, #tpu.memory_space<hbm>>
    tpu.enqueue_dma source(%arg9 : memref<512xf32, #tpu.memory_space<vmem>>) target(%dma_start3A_1244 : memref<512xf32, #tpu.memory_space<hbm>>) target_semaphore(%arg12 : memref<!tpu.dma_semaphore, #tpu.memory_space<semaphore_mem>>)
    %dma_start3A_1245 = tpu.memref_slice %arg6[%mul3A_2] : memref<16384xf32, #tpu.memory_space<hbm>> -> memref<512xf32, #tpu.memory_space<hbm>>
    %dma_start3A_1246 = tpu.memref_slice %arg6[%mul3A_2] : memref<16384xf32, #tpu.memory_space<hbm>> -> memref<512xf32, #tpu.memory_space<hbm>>
    tpu.enqueue_dma source(%arg10 : memref<512xf32, #tpu.memory_space<vmem>>) target(%dma_start3A_1246 : memref<512xf32, #tpu.memory_space<hbm>>) target_semaphore(%arg12 : memref<!tpu.dma_semaphore, #tpu.memory_space<semaphore_mem>>)
    %dma_wait3A_1247 = tpu.memref_slice %arg5[%mul3A_2] : memref<16384xf32, #tpu.memory_space<hbm>> -> memref<512xf32, #tpu.memory_space<hbm>>
    %dma_wait3A_1248 = tpu.memref_slice %arg5[%mul3A_2] : memref<16384xf32, #tpu.memory_space<hbm>> -> memref<512xf32, #tpu.memory_space<hbm>>
    tpu.wait_dma2 semaphore(%arg12 : memref<!tpu.dma_semaphore, #tpu.memory_space<semaphore_mem>>) src(%arg9 : memref<512xf32, #tpu.memory_space<vmem>>) dst(%dma_wait3A_1248 : memref<512xf32, #tpu.memory_space<hbm>>)
    %dma_wait3A_1249 = tpu.memref_slice %arg6[%mul3A_2] : memref<16384xf32, #tpu.memory_space<hbm>> -> memref<512xf32, #tpu.memory_space<hbm>>
    %dma_wait3A_1250 = tpu.memref_slice %arg6[%mul3A_2] : memref<16384xf32, #tpu.memory_space<hbm>> -> memref<512xf32, #tpu.memory_space<hbm>>
    tpu.wait_dma2 semaphore(%arg12 : memref<!tpu.dma_semaphore, #tpu.memory_space<semaphore_mem>>) src(%arg10 : memref<512xf32, #tpu.memory_space<vmem>>) dst(%dma_wait3A_1250 : memref<512xf32, #tpu.memory_space<hbm>>)
    return
  }
}

module attributes {stable_mosaic.version = 14 : i64} {
  func.func @_scale_add_tc(%arg0: i32, %arg1: memref<64x8192xf32, #tpu.memory_space<vmem>>, %arg2: memref<64x8192xf32, #tpu.memory_space<vmem>>, %arg3: memref<1x8192xf32, #tpu.memory_space<vmem>>, %arg4: memref<1x8192xf32, #tpu.memory_space<vmem>>, %arg5: memref<64x8192xf32, #tpu.memory_space<vmem>>) attributes {dimension_semantics = [#tpu.dimension_semantics<arbitrary>], iteration_bounds = array<i64: 2>, scalar_prefetch = 0 : i64, scratch_operands = 0 : i64, tpu.core_type = #tpu.core_type<tc>, window_params = [{transform_indices = @transform_0, window_bounds = array<i64: 64, 8192>}, {transform_indices = @transform_1, window_bounds = array<i64: 64, 8192>}, {transform_indices = @transform_2, window_bounds = array<i64: 1, 8192>}, {transform_indices = @transform_3, window_bounds = array<i64: 1, 8192>}, {transform_indices = @transform_4, window_bounds = array<i64: 64, 8192>}]} {
    %get3A = arith.constant 0 : index
    %get3A_0 = arith.constant 0 : index
    %get3A_1 = vector.load %arg3[%get3A, %get3A_0] : memref<1x8192xf32, #tpu.memory_space<vmem>>, vector<1x8192xf32>
    %get3A_2 = arith.constant 0 : index
    %get3A_3 = arith.constant 0 : index
    %get3A_4 = vector.load %arg1[%get3A_2, %get3A_3] : memref<64x8192xf32, #tpu.memory_space<vmem>>, vector<64x8192xf32>
    %mul3A = vector.broadcast %get3A_1 : vector<1x8192xf32> to vector<64x8192xf32>
    %mul3A_5 = arith.mulf %mul3A, %get3A_4 : vector<64x8192xf32>
    %get3A_6 = arith.constant 0 : index
    %get3A_7 = arith.constant 0 : index
    %get3A_8 = vector.load %arg4[%get3A_6, %get3A_7] : memref<1x8192xf32, #tpu.memory_space<vmem>>, vector<1x8192xf32>
    %get3A_9 = arith.constant 0 : index
    %get3A_10 = arith.constant 0 : index
    %get3A_11 = vector.load %arg2[%get3A_9, %get3A_10] : memref<64x8192xf32, #tpu.memory_space<vmem>>, vector<64x8192xf32>
    %mul3A_12 = vector.broadcast %get3A_8 : vector<1x8192xf32> to vector<64x8192xf32>
    %mul3A_13 = arith.mulf %mul3A_12, %get3A_11 : vector<64x8192xf32>
    %add3A = arith.addf %mul3A_5, %mul3A_13 : vector<64x8192xf32>
    %swap3A = arith.constant 0 : index
    %swap3A_14 = arith.constant 0 : index
    %swap3A_15 = vector.load %arg5[%swap3A, %swap3A_14] : memref<64x8192xf32, #tpu.memory_space<vmem>>, vector<64x8192xf32>
    tpu.vector_store %arg5[%swap3A, %swap3A_14], %add3A {strides = array<i32>} : memref<64x8192xf32, #tpu.memory_space<vmem>>, vector<64x8192xf32>,
    return
  }
  func.func @transform_0(%arg0: i32) -> (i32, i32) {
    %c0_i32 = arith.constant 0 : i32
    %c0_i32_0 = arith.constant 0 : i32
    return %c0_i32, %arg0 : i32, i32
  }
  func.func @transform_1(%arg0: i32) -> (i32, i32) {
    %c0_i32 = arith.constant 0 : i32
    %c0_i32_0 = arith.constant 0 : i32
    return %c0_i32, %arg0 : i32, i32
  }
  func.func @transform_2(%arg0: i32) -> (i32, i32) {
    %c0_i32 = arith.constant 0 : i32
    %c0_i32_0 = arith.constant 0 : i32
    return %c0_i32, %arg0 : i32, i32
  }
  func.func @transform_3(%arg0: i32) -> (i32, i32) {
    %c0_i32 = arith.constant 0 : i32
    %c0_i32_0 = arith.constant 0 : i32
    return %c0_i32, %arg0 : i32, i32
  }
  func.func @transform_4(%arg0: i32) -> (i32, i32) {
    %c0_i32 = arith.constant 0 : i32
    %c0_i32_0 = arith.constant 0 : i32
    return %c0_i32, %arg0 : i32, i32
  }
}

</mosaic_0001>

<sc_bundles>
// kernel: kernel.4.cloned.1.call-start
scs
__scs_entry_jumppad:
0x0: {  	(pc) =	sbr.rel $0x88, $3  }
0x1: {  	(tag) =	ssettag $0x0;
	lr =	simm.s32 $0x1  }
0x2: {  	[smem:$0x3F9C] =	sst lr;
	_ =	strace $0xD0000000  }
0x3: {  	_ = 	snop  }
0x4: {  	_ = 	snop  }
0x5: {  	_ = 	snop  }
0x6: {  	_ = 	snop  }
0x7: {  	_ = 	snop  }
__scs_overlays_trampoline_lowered:
0x8: {  	[smem:$0x3FAB] =	sst s0  }
0x9: {  	[smem:$0x3FAC] =	sst s1  }
0xa: {  	[smem:$0x3FAD] =	sst s2  }
0xb: {  	[smem:$0x3FAE] =	sst s3  }
0xc: {  	[smem:$0x3FAF] =	sst s4  }
0xd: {  	[smem:$0x3FB0] =	sst s5  }
0xe: {  	[smem:$0x3FB1] =	sst s6  }
0xf: {  	[smem:$0x3FB2] =	sst s7  }
0x10: {  	[smem:$0x3FB3] =	sst s8  }
0x11: {  	[smem:$0x3FB4] =	sst s9;
	s0 =	simm.s32 @!p0 $0x0  }
0x12: {  	s1 =	sld [smem:$0x3F9A];
	s0 =	simm.s32 @p0 $0x1  }
0x13: {  	[smem:$0x3FB5] =	sst s0;
	s0 =	simm.s32 @!p1 $0x0  }
0x14: {  	s2 =	sld [smem:$0x3F99];
	s0 =	simm.s32 @p1 $0x1  }
0x15: {  	[smem:$0x3FB6] =	sst s0;
	s0 =	simm.s32 @!p2 $0x0  }
0x16: {  	s3 =	sld [smem:$0x3FDB];
	s0 =	simm.s32 @p2 $0x1  }
0x17: {  	s4 =	simm.s32 $0x1BF5;
	[smem:$0x3FB8] =	sst s0  }
0x18: {  	s0 =	sld [smem:$0x3F9B];
	_ =	swait.ge [sflag:s4], $0x0  }
0x19: {  	s7 =	sld [smem:$0x3F9C]  }
0x1a: {  	s8 =	sadd.s32 $0xFFFFE003, lr  }
0x1b: {  	s9 =	sadd.s32 $0xFFFFFEF7, lr;
	s5 =	simm.s32 $0xFFFFFFFF;
	p2 =	slt.u32 s8, $0xFFFFF086  }
0x1c: {  	p1 =	slt.u32 s9, $0xF7A;
	s5 =	simm.s32 @!p2 $0x0  }
0x1d: {  	s5 =	simm.s32 @p1 $0x1;
	p0 =	seq.s32 s7, s2  }
0x1e: {  	s7 =	smul.u32 @!p0 $0xF7A, s2;
	p2 =	seq.s32 @!p0 s5, $0x0  }
0x1f: {  	s9 =	smul.u32 $0xF7A, s1;
	s8 =	simm.s32 @!p0 $0x1BF5;
	p2 =	por !p2, p0  }
0x20: {  	[sflag:s8] =	ssyncset.s32 @!p0 $0xFFFFF086;
	s6 =	sadd.s32 @!p0 s3, s7;
	s7 =	simm.s32 @!p0 $0x108  }
0x21: {  	s3 =	sadd.s32 s3, s9;
	s6 =	sadd.s32 @!p0 $0x88, s6;
	s7 =	simm.s32 @p2 $0x1082  }
0x22: {  	[simem:s7], [sflag:s8] =	dma.local @!p0 [hbm:s6], $0xF7A  }
0x23: {  	s9 =	sor.u32 $0xD0000000, s2;
	s6 =	simm.s32 $0x108;
	_ =	swait.ge @!p0 [sflag:s8], $0x0  }
0x24: {  	s3 =	sadd.s32 $0x88, s3;
	s6 =	simm.s32 @!p1 $0x1082;
	[sflag:s4] =	ssyncset.s32 $0xFFFFF086  }
0x25: {  	[simem:s6], [sflag:s4] =	dma.local [hbm:s3], $0xF7A  }
0x26: {  	[smem:$0x3F9C] =	sst s1;
	(tag) =	ssettag s2;
	_ =	strace s9  }
0x27: {  	s1 =	sld [smem:$0x3FAC]  }
0x28: {  	s2 =	sld [smem:$0x3FAD]  }
0x29: {  	s4 =	sld [smem:$0x3FAF]  }
0x2a: {  	p0 =	seq.s32 s5, $0x0;
	s5 =	sld [smem:$0x3FB0]  }
0x2b: {  	s6 =	sld [smem:$0x3FB1]  }
0x2c: {  	s7 =	sld [smem:$0x3FB2]  }
0x2d: {  	s3 =	simm.s32 $0x108;
	s8 =	sld [smem:$0x3FB3]  }
0x2e: {  	s3 =	simm.s32 @!p0 $0x1082;
	s9 =	sld [smem:$0x3FB4]  }
0x2f: {  	lr =	sadd.s32 s0, s3;
	s0 =	sld [smem:$0x3FAB]  }
0x30: {  	s3 =	sld [smem:$0x3FAE]  }
0x31: {  	[smem:$0x3FB7] =	sst s10  }
0x32: {  	s10 =	sld [smem:$0x3FB5];
	_ =	sdelay $0x3  }
0x33: {  	p0 =	seq.s32 s10, $0x1;
	s10 =	sld [smem:$0x3FB7];
	_ =	sdelay $0x3  }
0x34: {  	[smem:$0x3FB7] =	sst s10  }
0x35: {  	s10 =	sld [smem:$0x3FB6];
	_ =	sdelay $0x3  }
0x36: {  	p1 =	seq.s32 s10, $0x1;
	s10 =	sld [smem:$0x3FB7];
	_ =	sdelay $0x3  }
0x37: {  	[smem:$0x3FB7] =	sst s10  }
0x38: {  	s10 =	sld [smem:$0x3FB8]  }
0x39: {  	_ = 	snop;
	(pc) =	sbr.ind lr, $3  }
0x3a: {  	_ = 	snop  }
0x3b: {  	_ = 	snop  }
0x3c: {  	p2 =	seq.s32 s10, $0x1;
	s10 =	sld [smem:$0x3FB7]  }
0x3d: {  	_ =	shalt  }
0x3e: {  	_ =	shalt  }
0x3f: {  	_ =	shalt  }
0x40: {  	_ =	shalt  }
0x41: {  	_ =	shalt  }
0x42: {  	_ =	shalt  }
0x43: {  	_ =	shalt  }
0x44: {  	_ =	shalt  }
0x45: {  	_ =	shalt  }
0x46: {  	_ =	shalt  }
0x47: {  	_ =	shalt  }
0x48: {  	_ =	shalt  }
0x49: {  	_ =	shalt  }
0x4a: {  	_ =	shalt  }
0x4b: {  	_ =	shalt  }
0x4c: {  	_ =	shalt  }
0x4d: {  	_ =	shalt  }
0x4e: {  	_ =	shalt  }
0x4f: {  	_ =	shalt  }
0x50: {  	_ =	shalt  }
0x51: {  	_ =	shalt  }
0x52: {  	_ =	shalt  }
0x53: {  	_ =	shalt  }
0x54: {  	_ =	shalt  }
0x55: {  	_ =	shalt  }
0x56: {  	_ =	shalt  }
0x57: {  	_ =	shalt  }
0x58: {  	_ =	shalt  }
0x59: {  	_ =	shalt  }
0x5a: {  	_ =	shalt  }
0x5b: {  	_ =	shalt  }
0x5c: {  	_ =	shalt  }
0x5d: {  	_ =	shalt  }
0x5e: {  	_ =	shalt  }
0x5f: {  	_ =	shalt  }
0x60: {  	_ =	shalt  }
0x61: {  	_ =	shalt  }
0x62: {  	_ =	shalt  }
0x63: {  	_ =	shalt  }
0x64: {  	_ =	shalt  }
0x65: {  	_ =	shalt  }
0x66: {  	_ =	shalt  }
0x67: {  	_ =	shalt  }
0x68: {  	_ =	shalt  }
0x69: {  	_ =	shalt  }
0x6a: {  	_ =	shalt  }
0x6b: {  	_ =	shalt  }
0x6c: {  	_ =	shalt  }
0x6d: {  	_ =	shalt  }
0x6e: {  	_ =	shalt  }
0x6f: {  	_ =	shalt  }
0x70: {  	_ =	shalt  }
0x71: {  	_ =	shalt  }
0x72: {  	_ =	shalt  }
0x73: {  	_ =	shalt  }
0x74: {  	_ =	shalt  }
0x75: {  	_ =	shalt  }
0x76: {  	_ =	shalt  }
0x77: {  	_ =	shalt  }
0x78: {  	_ =	shalt  }
0x79: {  	_ =	shalt  }
0x7a: {  	_ =	shalt  }
0x7b: {  	_ =	shalt  }
0x7c: {  	_ =	shalt  }
0x7d: {  	_ =	shalt  }
0x7e: {  	_ =	shalt  }
0x7f: {  	_ =	shalt  }
0x80: {  	_ =	shalt  }
0x81: {  	_ =	shalt  }
0x82: {  	_ =	shalt  }
0x83: {  	_ =	shalt  }
0x84: {  	_ =	shalt  }
0x85: {  	_ =	shalt  }
0x86: {  	_ =	shalt  }
0x87: {  	_ =	shalt  }
.Lfunc_end0:
.L_simem_size_0:
called_computation_lowered:
.L_overlay_start_0:
0x88: {  	s2 =	sld [smem:$0x3FD9]  }
0x89: {  	s3 =	sld [smem:$0x3FFE];
	_ =	sdelay $0x1  }
0x8a: {  	s1 =	srdreg.scid  }
0x8b: {  	s0 =	sand.u32 $0x1, s1  }
0x8c: {  	s17 =	sshll.u32 s0, $0xA;
	s2 =	sadd.s32 s3, s2  }
0x8d: {  	s2 =	sadd.s32 s2, s17  }
0x8e: {  	[smem:$0x3FC3] =	sst s2  }
0x8f: {  	_ = 	snop  }
0x90: {  	s2 =	sld [smem:$0x3FC8]  }
0x91: {  	s18 =	sld [smem:$0x3FC6]  }
0x92: {  	s4 =	sld [smem:$0x3FC5]  }
0x93: {  	s5 =	sld [smem:$0x3FD0];
	(tm) =	ssettm $0x1  }
0x94: {  	s6 =	sld [smem:$0x3FFB];
	_ =	sdelay $0x3  }
0x95: {  	_ =	strace s6  }
0x96: {  	s6 =	sld [smem:$0x3FFC];
	_ =	sdelay $0x3  }
0x97: {  	_ =	strace s6  }
0x98: {  	s6 =	sld [smem:$0x3FFD];
	_ =	sdelay $0x3  }
0x99: {  	_ =	strace s6  }
0x9a: {  	_ =	strace $0x8FFFFFFF  }
0x9b: {  	s19 =	sld [smem:$0x3FDB];
	_ =	sdelay $0x1  }
0x9c: {  	s7 =	simm.s32 $_scs_section_size  }
0x9d: {  	s8 =	simm.s32 $_size__tile_overlayer_lowered;
	s9 =	simm.s32 $_tile_overlayer_lowered  }
0x9e: {  	s22 =	simm.s32 $0x1BFF;
	s21 =	sshll.u32 s9, $0x1;
	s6 =	sadd.s32 s7, s19  }
0x9f: {  	s10 =	simm.s32 $0x0;
	s20 =	sshll.u32 s8, $0x1;
	s8 =	sadd.s32 s21, s6  }
0xa0: {  	[timem:s10], [sflag:s22] =	dma.local [hbm:s8], s20  }
0xa1: {  	_ =	swait.ge [sflag:s22], s20  }
0xa2: {  	s7 =	ssub.s32 $0x0, s20;
	[sflag:s22] =	ssyncset.done $0x0  }
0xa3: {  	[sflag:s22] =	ssyncadd.s32 s7;
	_ =	sdelay $0x1  }
0xa4: {  	s23 =	simm.s32 $0x1B8B  }
0xa5: {  	_ =	swait.ge [sflag:s23], $0x1  }
0xa6: {  	[sflag:s23] =	ssyncset.done $0x0  }
0xa7: {  	s25 =	simm.s32 $0x1B8E;
	s24 =	sld [smem:$0x3FFE];
	[sflag:s23] =	ssyncadd.s32 $0xFFFFFFFF  }
0xa8: {  	s26 =	simm.s32 $execute0_lowered;
	[smem:$0x3FD2] =	sst s25  }
0xa9: {  	s8 =	sshll.u32 s26, $0x1;
	_ =	strace $0x80000046;
	[dreg:$0x1] =	wrdreg $0xFFFFFFFF  }
0xaa: {  	s28 =	simm.s32 $_size_execute0_lowered;
	s6 =	sadd.s32 s6, s8;
	[dreg:$0x0] =	wrdreg $0x0  }
0xab: {  	s8 =	sshll.u32 s28, $0x1;
	[dreg:$0x2] =	wrdreg s6  }
0xac: {  	[dreg:$0x3] =	wrdreg s8  }
0xad: {  	[dreg:$0x4] =	wrdreg $0xC0  }
0xae: {  	_ =	task [dreg:s10], $0x5FFFF  }
0xaf: {  	[dreg:$0x1] =	wrdreg $0xFFFFFFFF  }
0xb0: {  	[dreg:$0x0] =	wrdreg $0x60  }
0xb1: {  	[dreg:$0x2] =	wrdreg s2  }
0xb2: {  	[dreg:$0x3] =	wrdreg s18  }
0xb3: {  	[dreg:$0x4] =	wrdreg s4  }
0xb4: {  	[dreg:$0x5] =	wrdreg s5  }
0xb5: {  	[dreg:$0x6] =	wrdreg s24  }
0xb6: {  	[dreg:$0x7] =	wrdreg $0x9  }
0xb7: {  	_ =	task.clear_ibuf [dreg:s10], $0x8FFFF;
	_ =	strace $0x90000046  }
0xb8: {  	s29 =	simm.s32 $0x9;
	_ =	strace $0x80000048  }
0xb9: {  	_ =	swait.ge [sflag:s29], $0x1  }
0xba: {  	[sflag:s29] =	ssyncadd.s32 $0xFFFFFFFF  }
0xbb: {  	_ =	strace $0x90000048  }
0xbc: {  	_ =	sfence  }
0xbd: {  	s30 =	sld [smem:$0x0];
	_ =	sdelay $0x2  }
0xbe: {  	s31 =	sshll.u32 s1, $0xD;
	s1 =	sshrl.u32 s1, $0x2  }
0xbf: {  	s3 =	sand.u32 $0x4000, s31;
	s1 =	sadd.s32 s1, s30  }
0xc0: {  	s0 =	sor.u32 s3, s0;
	s1 =	sshll.u32 s1, $0x11  }
0xc1: {  	s0 =	sor.u32 s1, s0  }
0xc2: {  	s0 =	sadd.s32 $0x8F2B, s0  }
0xc3: {  	[sflag:s0] =	ssyncadd.remote.s32 $0x1  }
0xc4: {  	_ =	sfence.sel $0xFFFF  }
0xc5: {  	[dreg:$0x0] =	wrdreg $0xFFFFFFFF;
	(pc) =	sbr.abs _section_cstart, $3  }
0xc6: {  	[dreg:$0x1] =	wrdreg $0xFFFFFFFF  }
0xc7: {  	_ =	task.clear_ibuf [dreg:s10], $0x2FFFF;
	_ =	strace $0x9FFFFFFF  }
0xc8: {  	(tm) =	ssettm $0x7FFFFFFF  }
0xc9: {  	_ =	shalt  }
tec
execute0_lowered:
.L_overlay_start_1:
0x0: {  	(tag) =	ssettag $0x1  }
0x1: {  	s5 =	rddreg [dreg:$0x0]  }
0x2: {  	s2 =	srdreg.scid;
	s0 =	stileid.u32  }
0x3: {  	s1 =	rddreg [dreg:$0x1];
	v24 =	vlaneseq.u32;
	s6 =	sand.u32 $0x1, s2;
	s3 =	sshll.u32 s0, $0x1  }
0x4: {  	s8 =	rddreg [dreg:$0x3];
	v25 =	vor.u32 $0x10, v24;
	v26 =	vor.u32 $0x20, v24;
	v27 =	vor.u32 $0x30, v24;
	s7 =	sor.u32 s6, s3  }
0x5: {  	s10 =	rddreg [dreg:$0x4];
	v28 =	vor.u32 $0x40, v24;
	v29 =	vor.u32 $0x50, v24;
	v30 =	vor.u32 $0x60, v24;
	s9 =	sshll.u32 s7, $0xC  }
0x6: {  	s4 =	simm.s32 $0x0;
	s13 =	simm.s32 $0x600;
	s14 =	simm.s32 $0x280;
	v31 =	vor.u32 $0x70, v24;
	v0 =	vor.u32 s9, v24;
	v1 =	vor.u32 s9, v25  }
0x7: {  	s15 =	simm.s32 $0x480;
	s17 =	simm.s32 $0x300;
	s18 =	simm.s32 $0x500;
	v2 =	vor.u32 s9, v26;
	v3 =	vor.u32 s9, v27;
	v4 =	vor.u32 s9, v28  }
0x8: {  	s19 =	simm.s32 $0x700;
	s20 =	simm.s32 $0x380;
	v5 =	vor.u32 s9, v29;
	v6 =	vor.u32 s9, v30;
	v7 =	vor.u32 s9, v31;
	s12 =	sor.u32 $0x400, s9  }
0x9: {  	s21 =	simm.s32 $0x580;
	s23 =	simm.s32 $0x1;
	s2 =	rddreg [dreg:$0x2];
	v8 =	vor.u32 s12, v24;
	v9 =	vor.u32 s12, v25;
	v10 =	vor.u32 s12, v26  }
0xa: {  	s24 =	simm.s32 $0x2;
	[smem:$0x7FF] =	sst s4;
	s16 =	sor.u32 $0x800, s9;
	v11 =	vor.u32 s12, v27;
	v12 =	vor.u32 s12, v28;
	v13 =	vor.u32 s12, v29  }
0xb: {  	s3 =	rddreg [dreg:$0x5];
	s6 =	ssub.s32 $0x2, s6;
	s7 =	sshll.u32 s7, $0x6;
	v14 =	vor.u32 s12, v30;
	v15 =	vor.u32 s12, v31;
	v16 =	vor.u32 s16, v24  }
0xc: {  	_ =	strace $0x80000047;
	s11 =	sshrl.u32 s6, $0x1;
	s10 =	sadd.s32 s7, s10;
	v17 =	vor.u32 s16, v25;
	v18 =	vor.u32 s16, v26;
	v19 =	vor.u32 s16, v27  }
0xd: {  	s11 =	ssub.s32 s6, s11;
	s5 =	sadd.s32 s5, s7;
	s22 =	sor.u32 $0xC00, s9;
	v20 =	vor.u32 s16, v28;
	v21 =	vor.u32 s16, v29;
	v22 =	vor.u32 s16, v30  }
0xe: {  	s6 =	sadd.s32 s8, s7;
	s9 =	simm.s32 $0x3;
	s7 =	sadd.s32 $0x1000, s10;
	v23 =	vor.u32 s16, v31;
	v24 =	vor.u32 s22, v24;
	v25 =	vor.u32 s22, v25  }
0xf: {  	s8 =	smax.u32 s11, $0x1;
	s10 =	simm.s32 $0x80;
	s11 =	simm.s32 $0x200;
	v26 =	vor.u32 s22, v26;
	v27 =	vor.u32 s22, v27;
	v28 =	vor.u32 s22, v28  }
0x10: {  	s12 =	simm.s32 $0x400;
	s16 =	simm.s32 $0x680;
	v29 =	vor.u32 s22, v29;
	v30 =	vor.u32 s22, v30;
	v31 =	vor.u32 s22, v31;
	s22 =	simm.s32 $0x780  }
.LBB2_1:
0x11: {  	[tilespmem:s4], [sflag:$0x3] =	stream.linear.gather [hbm4b:s5+s4], $0x200, $0x38;
	[tilespmem:$0x800] =	vst v63  }
0x12: {  	_ =	swait.ge [sflag:s9], $0x200  }
0x13: {  	[sflag:s9] =	ssyncset.done $0x0  }
0x14: {  	[sflag:s9] =	ssyncadd.s32 $0xFFFFFE00  }
0x15: {  	v32 =	vld [tilespmem:$0x0]  }
0x16: {  	v33 =	vld [tilespmem:$0x10]  }
0x17: {  	v34 =	vld [tilespmem:$0x20]  }
0x18: {  	v36 =	vld [tilespmem:$0x30]  }
0x19: {  	v48 =	vld [tilespmem:$0x40]  }
0x1a: {  	v38 =	vld [tilespmem:$0x50]  }
0x1b: {  	v52 =	vld [tilespmem:$0x60]  }
0x1c: {  	v40 =	vld [tilespmem:$0x70]  }
0x1d: {  	v56 =	vld [tilespmem:$0x80]  }
0x1e: {  	v42 =	vld [tilespmem:$0x90];
	v35 =	vshll.u32 v32, $0xE;
	v32 =	vshll.u32 v32, $0x7  }
0x1f: {  	v37 =	vshll.u32 v33, $0x7;
	v33 =	vshll.u32 v33, $0xE;
	v49 =	vshll.u32 v34, $0xE  }
0x20: {  	v34 =	vshll.u32 v34, $0x7;
	v39 =	vshll.u32 v36, $0x7;
	v36 =	vshll.u32 v36, $0xE  }
0x21: {  	v53 =	vshll.u32 v48, $0xE;
	v41 =	vshll.u32 v38, $0x7;
	v38 =	vshll.u32 v38, $0xE  }
0x22: {  	v57 =	vshll.u32 v52, $0xE;
	v43 =	vshll.u32 v40, $0x7;
	v40 =	vshll.u32 v40, $0xE  }
0x23: {  	v61 =	vshll.u32 v56, $0xE;
	v45 =	vshll.u32 v42, $0x7;
	v42 =	vshll.u32 v42, $0xE  }
0x24: {  	v35 =	vand.u32 $0xFFFE0000, v35;
	v32 =	vand.u32 $0x380, v32;
	v37 =	vand.u32 $0x380, v37  }
0x25: {  	v33 =	vand.u32 $0xFFFE0000, v33;
	v34 =	vand.u32 $0x380, v34;
	v39 =	vand.u32 $0x380, v39  }
0x26: {  	v50 =	vand.u32 $0xFFFE0000, v36;
	v36 =	vand.u32 $0xFFFE0000, v53;
	v41 =	vand.u32 $0x380, v41  }
0x27: {  	v60 =	vld [tilespmem:$0xA0];
	v54 =	vand.u32 $0xFFFE0000, v38;
	v38 =	vand.u32 $0xFFFE0000, v57;
	v43 =	vand.u32 $0x380, v43  }
0x28: {  	v58 =	vand.u32 $0xFFFE0000, v40;
	v40 =	vand.u32 $0xFFFE0000, v61;
	v45 =	vand.u32 $0x380, v45  }
0x29: {  	v62 =	vand.u32 $0xFFFE0000, v42;
	v32 =	vor.u32 v32, v0;
	v47 =	vor.u32 v37, v1  }
0x2a: {  	v44 =	vld [tilespmem:$0xB0];
	v34 =	vor.u32 v34, v2;
	v51 =	vor.u32 v39, v3;
	v37 =	vshll.u32 v48, $0x7  }
0x2b: {  	v55 =	vor.u32 v41, v5;
	v39 =	vshll.u32 v52, $0x7;
	v59 =	vor.u32 v43, v7  }
0x2c: {  	v41 =	vshll.u32 v56, $0x7;
	v63 =	vor.u32 v45, v9;
	v43 =	vshll.u32 v60, $0x7  }
0x2d: {  	v32 =	vor.u32 v35, v32;
	v33 =	vor.u32 v33, v47;
	v35 =	vand.u32 $0xFFFE0000, v49  }
0x2e: {  	v46 =	vld [tilespmem:$0xD0];
	v37 =	vand.u32 $0x380, v37;
	v39 =	vand.u32 $0x380, v39;
	v41 =	vand.u32 $0x380, v41  }
0x2f: {  	v49 =	vshll.u32 v60, $0xE;
	v43 =	vand.u32 $0x380, v43;
	v47 =	vshll.u32 v44, $0x7  }
0x30: {  	v44 =	vshll.u32 v44, $0xE;
	v34 =	vor.u32 v35, v34;
	v35 =	vor.u32 v50, v51  }
0x31: {  	v37 =	vor.u32 v37, v4;
	v39 =	vor.u32 v39, v6;
	v41 =	vor.u32 v41, v8  }
0x32: {  	v48 =	vld [tilespmem:$0xC0];
	v42 =	vand.u32 $0xFFFE0000, v49;
	v43 =	vor.u32 v43, v10;
	v47 =	vand.u32 $0x380, v47  }
0x33: {  	v52 =	vld [tilespmem:$0xE0];
	v50 =	vand.u32 $0xFFFE0000, v44;
	v49 =	vshll.u32 v46, $0x7;
	v46 =	vshll.u32 v46, $0xE  }
0x34: {  	v56 =	vld [tilespmem:$0x100];
	v36 =	vor.u32 v36, v37;
	v37 =	vor.u32 v54, v55;
	v38 =	vor.u32 v38, v39  }
0x35: {  	v39 =	vor.u32 v58, v59;
	v40 =	vadd.s32 v40, v41;
	v41 =	vadd.s32 v62, v63  }
0x36: {  	v60 =	vld [tilespmem:$0x120];
	v42 =	vadd.s32 v42, v43;
	v51 =	vor.u32 v47, v11;
	v49 =	vand.u32 $0x380, v49  }
0x37: {  	v54 =	vand.u32 $0xFFFE0000, v46;
	v43 =	vadd.s32 v50, v51;
	v55 =	vor.u32 v49, v13  }
0x38: {  	v53 =	vshll.u32 v48, $0xE;
	v45 =	vshll.u32 v48, $0x7;
	v57 =	vshll.u32 v52, $0xE  }
0x39: {  	v50 =	vld [tilespmem:$0x110];
	v47 =	vshll.u32 v52, $0x7;
	v61 =	vshll.u32 v56, $0xE;
	v49 =	vshll.u32 v56, $0x7  }
0x3a: {  	v48 =	vld [tilespmem:$0xF0];
	v44 =	vand.u32 $0xFFFE0000, v53;
	v45 =	vand.u32 $0x380, v45;
	v46 =	vand.u32 $0xFFFE0000, v57  }
0x3b: {  	v47 =	vand.u32 $0x380, v47;
	v49 =	vand.u32 $0x380, v49;
	v57 =	vshll.u32 v60, $0xE  }
0x3c: {  	v52 =	vld [tilespmem:$0x130];
	v45 =	vor.u32 v45, v12;
	v47 =	vor.u32 v47, v14;
	v62 =	vor.u32 v49, v16  }
0x3d: {  	[tilespmem:$0x220] =	vst v34;
	v56 =	vld [tilespmem:$0x140];
	v34 =	vand.u32 $0xFFFE0000, v57;
	v44 =	vadd.s32 v44, v45;
	v45 =	vadd.s32 v54, v55  }
0x3e: {  	v46 =	vadd.s32 v46, v47;
	v53 =	vshll.u32 v50, $0x7;
	v63 =	vshll.u32 v50, $0xE  }
0x3f: {  	v51 =	vshll.u32 v48, $0x7;
	v48 =	vshll.u32 v48, $0xE;
	v53 =	vand.u32 $0x380, v53  }
0x40: {  	v54 =	vand.u32 $0xFFFE0000, v63;
	v51 =	vand.u32 $0x380, v51;
	v58 =	vand.u32 $0xFFFE0000, v48  }
0x41: {  	[tilespmem:$0x200] =	vst v32;
	v48 =	vand.u32 $0xFFFE0000, v61;
	v55 =	vor.u32 v53, v17;
	v61 =	vshll.u32 v52, $0x7  }
0x42: {  	[tilespmem:$0x210] =	vst v33;
	v53 =	vshll.u32 v56, $0xE;
	v32 =	vadd.s32 v48, v62;
	v62 =	vshll.u32 v52, $0xE;
	v52 =	vld [tilespmem:$0x160]  }
0x43: {  	[tilespmem:$0x230] =	vst v35;
	v59 =	vor.u32 v51, v15;
	v33 =	vadd.s32 v54, v55;
	v48 =	vand.u32 $0x380, v61;
	v55 =	vld [tilespmem:$0x170]  }
0x44: {  	[tilespmem:$0x240] =	vst v36;
	v54 =	vshll.u32 v56, $0x7;
	v61 =	vld [tilespmem:$0x190];
	v47 =	vadd.s32 v58, v59;
	v58 =	vshll.u32 v60, $0x7  }
0x45: {  	[tilespmem:$0x260] =	vst v38;
	v36 =	vand.u32 $0xFFFE0000, v53;
	v59 =	vld [tilespmem:$0x150];
	v38 =	vand.u32 $0x380, v54;
	v60 =	vand.u32 $0x380, v58  }
0x46: {  	[tilespmem:$0x250] =	vst v37;
	v63 =	vand.u32 $0xFFFE0000, v62;
	v38 =	vor.u32 v38, v20;
	v35 =	vor.u32 v60, v18  }
0x47: {  	[tilespmem:$0x270] =	vst v39;
	v50 =	vld [tilespmem:$0x1B0];
	v51 =	vor.u32 v48, v19;
	v36 =	vadd.s32 v36, v38;
	v34 =	vadd.s32 v34, v35  }
0x48: {  	[tilespmem:$0x280] =	vst v40;
	v35 =	vadd.s32 v63, v51;
	v60 =	vshll.u32 v52, $0xE;
	v37 =	vshll.u32 v52, $0x7  }
0x49: {  	[tilespmem:$0x2A0] =	vst v42;
	v62 =	vshll.u32 v55, $0x7;
	v63 =	vshll.u32 v55, $0xE;
	v51 =	vshll.u32 v61, $0x7  }
0x4a: {  	[tilespmem:$0x2D0] =	vst v45;
	v53 =	vshll.u32 v61, $0xE;
	v56 =	vshll.u32 v59, $0x7;
	v57 =	vshll.u32 v59, $0xE  }
0x4b: {  	[tilespmem:$0x2E0] =	vst v46;
	v46 =	vld [tilespmem:$0x1E0];
	v37 =	vand.u32 $0x380, v37;
	v42 =	vand.u32 $0x380, v62;
	v45 =	vand.u32 $0xFFFE0000, v63  }
0x4c: {  	[tilespmem:$0x290] =	vst v41;
	v48 =	vld [tilespmem:$0x1A0];
	v54 =	vand.u32 $0x380, v51;
	v55 =	vand.u32 $0xFFFE0000, v53;
	v62 =	vshll.u32 v50, $0x7  }
0x4d: {  	[tilespmem:$0x2B0] =	vst v43;
	v59 =	vld [tilespmem:$0x180];
	v63 =	vshll.u32 v50, $0xE;
	v39 =	vand.u32 $0x380, v56;
	v58 =	vand.u32 $0xFFFE0000, v57  }
0x4e: {  	[tilespmem:$0x2C0] =	vst v44;
	v37 =	vor.u32 v37, v22;
	v42 =	vor.u32 v42, v23;
	v56 =	vor.u32 v54, v25  }
0x4f: {  	[tilespmem:$0x310] =	vst v33;
	v57 =	vld [tilespmem:$0x1C0];
	v44 =	vand.u32 $0xFFFE0000, v63;
	v39 =	vor.u32 v39, v21;
	v33 =	vadd.s32 v55, v56  }
0x50: {  	[tilespmem:$0x300] =	vst v32;
	v55 =	vshll.u32 v46, $0xE;
	v38 =	vadd.s32 v58, v39;
	v39 =	vand.u32 $0xFFFE0000, v60  }
0x51: {  	[tilespmem:$0x2F0] =	vst v47;
	v56 =	vshll.u32 v46, $0x7;
	v58 =	vshll.u32 v48, $0xE;
	v37 =	vadd.s32 v39, v37  }
0x52: {  	[tilespmem:$0x320] =	vst v34;
	v39 =	vadd.s32 v45, v42;
	v34 =	vand.u32 $0xFFFE0000, v58;
	v49 =	vshll.u32 v59, $0xE  }
0x53: {  	[tilespmem:$0x340] =	vst v36;
	v60 =	vld [tilespmem:$0x1D0];
	v40 =	vshll.u32 v59, $0x7;
	v59 =	vshll.u32 v48, $0x7;
	v42 =	vand.u32 $0xFFFE0000, v49  }
0x54: {  	[tilespmem:$0x330] =	vst v35;
	v40 =	vand.u32 $0x380, v40;
	v61 =	vand.u32 $0x380, v59;
	v47 =	vshll.u32 v57, $0xE  }
0x55: {  	[tilespmem:$0x390] =	vst v33;
	v48 =	vshll.u32 v57, $0x7;
	v57 =	vand.u32 $0x380, v56;
	v52 =	vor.u32 v40, v24  }
0x56: {  	[tilespmem:$0x350] =	vst v38;
	v49 =	vld [tilespmem:$0x1F0];
	v35 =	vor.u32 v61, v26;
	v40 =	vand.u32 $0x380, v62;
	v36 =	vand.u32 $0xFFFE0000, v47  }
0x57: {  	[tilespmem:$0x360] =	vst v37;
	v37 =	vand.u32 $0x380, v48;
	v59 =	vor.u32 v57, v30;
	v32 =	vadd.s32 v42, v52  }
0x58: {  	[tilespmem:$0x370] =	vst v39;
	v34 =	vadd.s32 v34, v35;
	v45 =	vor.u32 v40, v27;
	v50 =	vshll.u32 v60, $0x7  }
0x59: {  	v51 =	vor.u32 v37, v28;
	v52 =	vshll.u32 v60, $0xE;
	v35 =	vadd.s32 v44, v45;
	[tilespmem:$0x380] =	vst v32  }
0x5a: {  	v39 =	vand.u32 $0x380, v50;
	v32 =	vadd.s32 v36, v51;
	v53 =	vand.u32 $0xFFFE0000, v52;
	[tilespmem:$0x3A0] =	vst v34  }
0x5b: {  	v34 =	vand.u32 $0xFFFE0000, v55;
	v54 =	vor.u32 v39, v29;
	[tilespmem:$0x3B0] =	vst v35;
	v58 =	vshll.u32 v49, $0x7  }
0x5c: {  	[tilespmem:$0x3C0] =	vst v32;
	v32 =	vadd.s32 v34, v59;
	v60 =	vshll.u32 v49, $0xE;
	v36 =	vand.u32 $0x380, v58  }
0x5d: {  	v33 =	vadd.s32 v53, v54;
	[tilespmem:$0x3E0] =	vst v32;
	v61 =	vand.u32 $0xFFFE0000, v60;
	v62 =	vor.u32 v36, v31  }
0x5e: {  	[tilespmem:$0x3D0] =	vst v33;
	v63 =	vadd.s32 v61, v62  }
0x5f: {  	[tilespmem:$0x3F0] =	vst v63  }
0x60: {  	[tilespmem:s12], [sflag:$0x1] =	stream.indirect.gather [hbm4b:s1+s10], $0x1, s11, s10, $0xb8;
	[tilespmem:$0x800] =	vst v63  }
0x61: {  	_ = 	snop  }
0x62: {  	[tilespmem:s13], [sflag:$0x1] =	stream.indirect.gather [hbm4b:s2+s10], $0x1, s11, s10, $0xb8;
	[tilespmem:$0x800] =	vst v63  }
0x63: {  	_ = 	snop  }
0x64: {  	[tilespmem:s15], [sflag:$0x1] =	stream.indirect.gather [hbm4b:s1+s10], $0x1, s14, s10, $0xb8;
	[tilespmem:$0x800] =	vst v63  }
0x65: {  	_ = 	snop  }
0x66: {  	[tilespmem:s16], [sflag:$0x1] =	stream.indirect.gather [hbm4b:s2+s10], $0x1, s14, s10, $0xb8;
	[tilespmem:$0x800] =	vst v63  }
0x67: {  	_ = 	snop  }
0x68: {  	[tilespmem:s18], [sflag:$0x1] =	stream.indirect.gather [hbm4b:s1+s10], $0x1, s17, s10, $0xb8;
	[tilespmem:$0x800] =	vst v63  }
0x69: {  	_ = 	snop  }
0x6a: {  	[tilespmem:s19], [sflag:$0x1] =	stream.indirect.gather [hbm4b:s2+s10], $0x1, s17, s10, $0xb8;
	[tilespmem:$0x800] =	vst v63  }
0x6b: {  	_ = 	snop  }
0x6c: {  	[tilespmem:s21], [sflag:$0x1] =	stream.indirect.gather [hbm4b:s1+s10], $0x1, s20, s10, $0xb8;
	[tilespmem:$0x800] =	vst v63  }
0x6d: {  	_ = 	snop  }
0x6e: {  	[tilespmem:s22], [sflag:$0x1] =	stream.indirect.gather [hbm4b:s2+s10], $0x1, s20, s10, $0xb8;
	[tilespmem:$0x800] =	vst v63  }
0x6f: {  	_ =	swait.ge [sflag:s23], $0x80  }
0x70: {  	[sflag:s23] =	ssyncset.done $0x0  }
0x71: {  	[sflag:s23] =	ssyncadd.s32 $0xFFFFFF80  }
0x72: {  	_ =	swait.ge [sflag:s23], $0x80  }
0x73: {  	[sflag:s23] =	ssyncset.done $0x0  }
0x74: {  	[sflag:s23] =	ssyncadd.s32 $0xFFFFFF80  }
0x75: {  	_ =	swait.ge [sflag:s23], $0x80  }
0x76: {  	[sflag:s23] =	ssyncset.done $0x0  }
0x77: {  	[sflag:s23] =	ssyncadd.s32 $0xFFFFFF80  }
0x78: {  	_ =	swait.ge [sflag:s23], $0x80  }
0x79: {  	[sflag:s23] =	ssyncset.done $0x0  }
0x7a: {  	[sflag:s23] =	ssyncadd.s32 $0xFFFFFF80  }
0x7b: {  	_ =	swait.ge [sflag:s23], $0x80  }
0x7c: {  	[sflag:s23] =	ssyncset.done $0x0  }
0x7d: {  	[sflag:s23] =	ssyncadd.s32 $0xFFFFFF80  }
0x7e: {  	_ =	swait.ge [sflag:s23], $0x80  }
0x7f: {  	[sflag:s23] =	ssyncset.done $0x0  }
0x80: {  	[sflag:s23] =	ssyncadd.s32 $0xFFFFFF80  }
0x81: {  	_ =	swait.ge [sflag:s23], $0x80  }
0x82: {  	[sflag:s23] =	ssyncset.done $0x0  }
0x83: {  	[sflag:s23] =	ssyncadd.s32 $0xFFFFFF80  }
0x84: {  	_ =	swait.ge [sflag:s23], $0x80  }
0x85: {  	[sflag:s23] =	ssyncset.done $0x0  }
0x86: {  	[sflag:s23] =	ssyncadd.s32 $0xFFFFFF80  }
0x87: {  	[hbm4b:s6+s4] =	stream.linear.scatter [tilespmem:s12], [sflag:$0x2], $0x200, $0x38;
	[tilespmem:$0x800] =	vst v63  }
0x88: {  	_ = 	snop  }
0x89: {  	[hbm4b:s7+s4] =	stream.linear.scatter [tilespmem:s13], [sflag:$0x2], $0x200, $0x38;
	[tilespmem:$0x800] =	vst v63  }
0x8a: {  	p0 =	sne.s32 s8, $0x1;
	_ =	swait.ge [sflag:s24], $0x200  }
.Ltmp0:
0x8b: {  	[sflag:s24] =	ssyncset.done $0x0;
	(pc) =	sbr.rel @p0 .LBB2_1-.Ltmp0, $4  }
0x8c: {  	[sflag:s24] =	ssyncadd.s32 $0xFFFFFE00  }
0x8d: {  	_ =	swait.ge [sflag:s24], $0x200  }
0x8e: {  	[sflag:s24] =	ssyncset.done $0x0  }
0x8f: {  	s8 =	sadd.s32 $0xFFFFFFFF, s8;
	[sflag:s24] =	ssyncadd.s32 $0xFFFFFE00  }
0x90: {  	_ =	sfence.sel $0x180000  }
0x91: {  	[bflag:$0x0] =	sbarrier.arrive $0xFFFF  }
0x92: {  	p0 =	sne.s32 s0, $0x0;
	_ =	strace $0x90000047  }
0x93: {  	s0 =	sadd.s32 @!p0 $0x100000, s3;
	[bflag:$0x2] =	sbarrier.arrive $0xFFFF  }
0x94: {  	[sflag:s0] =	ssyncadd.tile.s32 @!p0 $0x1;
	_ =	shalt  }
.Lfunc_end2:
_tile_overlayer_lowered:
.L_overlay_start_2:
0x95: {  	(tag) =	ssettag $0x2  }
0x96: {  	s0 =	rddreg [dreg:$0x0];
	s2 =	stileid.u32  }
0x97: {  	s1 =	rddreg [dreg:$0x1];
	p0 =	sne.s32 s2, $0x0  }
0x98: {  	s3 =	rddreg [dreg:$0x2];
	[bflag:$0x3] =	sbarrier.arrive $0xFFFF;
	s2 =	simm.s32 @!p0 $0x1C03  }
0x99: {  	[timem:s3], [sflag:s2] =	dma.local @!p0 [hbm:s0], s1  }
0x9a: {  	s0 =	simm.s32 @!p0 $0x3  }
0x9b: {  	_ =	swait.ge @!p0 [sflag:s0], s1  }
0x9c: {  	s1 =	ssub.s32 @!p0 $0x0, s1;
	[sflag:s0] =	ssyncset.done @!p0 $0x0  }
0x9d: {  	[sflag:s0] =	ssyncadd.s32 @!p0 s1  }
0x9e: {  	[bflag:$0x3] =	sbarrier.arrive $0xFFFF  }
0x9f: {  	_ =	shalt  }

</sc_bundles>
